<compile_context>
chip_gen: v7x
topology: tpu7x:2x2x1
jax: 0.10.2.dev20260603
libtpu: 0.0.44.dev20260713+nightly
codegen_flags: <defaults>
</compile_context>

<pallas_src>
import jax
import jax.numpy as jnp
from jax import lax
from jax.experimental import pallas as pl
from jax.experimental.pallas import tpu as pltpu, tpu_sc as plsc

B, S, H = 4, 8192, 1024
N = B * S
NC, NS = 2, 16
NW = NC * NS
PER_W = N // NW
CHUNK = 32
NCHUNK = PER_W // CHUNK


def _emb_body(text_table, feat_table, text_ids, feat_ids,
              text_out, feat_out, idx_v, rows0, rows1, gsem0, gsem1):
    wid = lax.axis_index("s") * NC + lax.axis_index("c")
    base = wid * PER_W
    rows = (rows0, rows1)
    gsem = (gsem0, gsem1)
    pltpu.sync_copy(text_ids.at[pl.ds(base, PER_W)], idx_v.at[pl.ds(0, PER_W)])
    pltpu.sync_copy(feat_ids.at[pl.ds(base, PER_W)],
                    idx_v.at[pl.ds(PER_W, PER_W)])

    for t, (table, out) in enumerate(((text_table, text_out),
                                      (feat_table, feat_out))):
        def start_gather(ch, b):
            idx_s = idx_v.at[pl.ds(t * PER_W + ch * CHUNK, CHUNK)]
            pltpu.async_copy(table.at[idx_s], rows[b], gsem[b])

        def wait_gather(b):
            pltpu.make_async_copy(table.at[pl.ds(0, CHUNK)], rows[b],
                                  gsem[b]).wait()

        def scatter(ch, b):
            pltpu.sync_copy(rows[b], out.at[pl.ds(base + ch * CHUNK, CHUNK)])

        start_gather(0, 0)
        start_gather(1, 1)

        @pl.loop(0, NCHUNK - 2, step=2)
        def _(c):
            for b in range(2):
                ch = c + b
                wait_gather(b)
                scatter(ch, b)
                start_gather(ch + 2, b)

        for b in range(2):
            wait_gather(b)
            scatter(NCHUNK - 2 + b, b)


def kernel(input_ids, feature_ids, text_table, feature_table):
    t_ids = input_ids.reshape(-1).astype(jnp.int32)
    f_ids = feature_ids.reshape(-1).astype(jnp.int32)
    mesh = plsc.VectorSubcoreMesh(core_axis_name="c", subcore_axis_name="s")
    fn = pl.kernel(
        _emb_body,
        out_type=(jax.ShapeDtypeStruct((N, H), jnp.float32),
                  jax.ShapeDtypeStruct((N, H), jnp.float32)),
        mesh=mesh,
        scratch_types=[
            pltpu.VMEM((2 * PER_W,), jnp.int32),
            pltpu.VMEM((CHUNK, H), jnp.float32),
            pltpu.VMEM((CHUNK, H), jnp.float32),
            pltpu.SemaphoreType.DMA,
            pltpu.SemaphoreType.DMA,
        ],
    )
    t_out, f_out = fn(text_table, feature_table, t_ids, f_ids)
    return t_out.reshape(B, S, H), f_out.reshape(B, S, H)

# --- scband reference (transcript-rebuilt; emitter-appended) ---
"""Pipeline reference for scband-embedding-17592186044958 (READ-ONLY COPY).

The authoritative reference and input builder live on the scoring server;
editing this copy changes nothing except your own understanding.
"""

import jax, jax.numpy as jnp
import numpy as np

B = 4
S = 8192
HIDDEN = 1024
TEXT_VOCAB = 100000
FEAT_VOCAB = 100000
PAD = 0


def setup_inputs(seed: int = 0) -> dict:
    key = jax.random.key(seed)
    k1, k2, k3, k4 = jax.random.split(key, 4)
    input_ids = jax.random.randint(k1, (B, S), 0, TEXT_VOCAB, dtype=jnp.int64 if jax.config.jax_enable_x64 else jnp.int32)
    feature_ids = jax.random.randint(k2, (B, S), 0, FEAT_VOCAB, dtype=jnp.int64 if jax.config.jax_enable_x64 else jnp.int32)
    text_table = jax.random.normal(k3, (TEXT_VOCAB, HIDDEN), dtype=jnp.float32) * 0.02
    feature_table = jax.random.normal(k4, (FEAT_VOCAB, HIDDEN), dtype=jnp.float32) * 0.02
    # padding_idx row is initialized to zeros in torch nn.Embedding
    text_table = text_table.at[PAD].set(0.0)
    feature_table = feature_table.at[PAD].set(0.0)
    return {
        "input_ids": input_ids,
        "feature_ids": feature_ids,
        "text_table": text_table,
        "feature_table": feature_table,
    }


def reference(input_ids, feature_ids, text_table, feature_table):
    text_embeddings = jnp.take(text_table, input_ids, axis=0)
    feature_embeddings = jnp.take(feature_table, feature_ids, axis=0)
    return (text_embeddings, feature_embeddings)

if __name__ == "__main__":
    import jax
    _d = setup_inputs()
    print(jax.jit(kernel)(*tuple(_d.values())))

</pallas_src>

<mosaic_0001>
#map = affine_map<(d0, d1) -> (0, 0)>
#map1 = affine_map<(d0, d1) -> (0)>
module attributes {stable_mosaic.version = 14 : i64} {
  func.func @_emb_body(%arg0: i32, %arg1: i32, %arg2: memref<100000x1024xf32, #tpu.memory_space<hbm>>, %arg3: memref<100000x1024xf32, #tpu.memory_space<hbm>>, %arg4: memref<32768xi32, #tpu.memory_space<hbm>>, %arg5: memref<32768xi32, #tpu.memory_space<hbm>>, %arg6: memref<32768x1024xf32, #tpu.memory_space<hbm>>, %arg7: memref<32768x1024xf32, #tpu.memory_space<hbm>>, %arg8: memref<2048xi32, #tpu.memory_space<vmem>>, %arg9: memref<32x1024xf32, #tpu.memory_space<vmem>>, %arg10: memref<32x1024xf32, #tpu.memory_space<vmem>>, %arg11: memref<!tpu.dma_semaphore, #tpu.memory_space<semaphore_mem>>, %arg12: memref<!tpu.dma_semaphore, #tpu.memory_space<semaphore_mem>>) attributes {dimension_semantics = [#tpu.dimension_semantics<core_parallel>, #tpu.dimension_semantics<subcore_parallel>], iteration_bounds = array<i64: 2, 16>, scalar_prefetch = 0 : i64, scratch_operands = 5 : i64, tpu.core_type = #tpu.core_type<sc_vector_subcore>, window_params = [{transform_indices = #map}, {transform_indices = #map}, {transform_indices = #map1}, {transform_indices = #map1}, {transform_indices = #map}, {transform_indices = #map}]} {
    %mul3A = arith.constant 2 : i32
    %mul3A_0 = arith.muli %arg1, %mul3A : i32
    %add3A = arith.addi %mul3A_0, %arg0 : i32
    %mul3A_1 = arith.constant 1024 : i32
    %mul3A_2 = arith.muli %add3A, %mul3A_1 : i32
    "tpu.region"() ({
      %run_scoped3A = tpu.sem_alloc : memref<!tpu.dma_semaphore, #tpu.memory_space<semaphore_mem>>
      %dma_start3A_62 = arith.constant 0 : i32
      %dma_start3A_63 = tpu.memref_slice %arg8[%dma_start3A_62] : memref<2048xi32, #tpu.memory_space<vmem>> -> memref<1024xi32, #tpu.memory_space<vmem>>
      %dma_start3A_64 = tpu.memref_slice %arg4[%mul3A_2] : memref<32768xi32, #tpu.memory_space<hbm>> -> memref<1024xi32, #tpu.memory_space<hbm>>
      %dma_start3A_65 = arith.constant 0 : i32
      %dma_start3A_66 = tpu.memref_slice %arg8[%dma_start3A_65] : memref<2048xi32, #tpu.memory_space<vmem>> -> memref<1024xi32, #tpu.memory_space<vmem>>
      %dma_start3A_67 = tpu.memref_slice %arg4[%mul3A_2] : memref<32768xi32, #tpu.memory_space<hbm>> -> memref<1024xi32, #tpu.memory_space<hbm>>
      tpu.enqueue_dma source(%dma_start3A_67 : memref<1024xi32, #tpu.memory_space<hbm>>) target(%dma_start3A_66 : memref<1024xi32, #tpu.memory_space<vmem>>) target_semaphore(%run_scoped3A : memref<!tpu.dma_semaphore, #tpu.memory_space<semaphore_mem>>)
      %dma_wait3A_68 = arith.constant 0 : i32
      %dma_wait3A_69 = tpu.memref_slice %arg8[%dma_wait3A_68] : memref<2048xi32, #tpu.memory_space<vmem>> -> memref<1024xi32, #tpu.memory_space<vmem>>
      %dma_wait3A_70 = tpu.memref_slice %arg4[%mul3A_2] : memref<32768xi32, #tpu.memory_space<hbm>> -> memref<1024xi32, #tpu.memory_space<hbm>>
      %dma_wait3A_71 = arith.constant 0 : i32
      %dma_wait3A_72 = tpu.memref_slice %arg8[%dma_wait3A_71] : memref<2048xi32, #tpu.memory_space<vmem>> -> memref<1024xi32, #tpu.memory_space<vmem>>
      %dma_wait3A_73 = tpu.memref_slice %arg4[%mul3A_2] : memref<32768xi32, #tpu.memory_space<hbm>> -> memref<1024xi32, #tpu.memory_space<hbm>>
      tpu.wait_dma2 semaphore(%run_scoped3A : memref<!tpu.dma_semaphore, #tpu.memory_space<semaphore_mem>>) src(%dma_wait3A_73 : memref<1024xi32, #tpu.memory_space<hbm>>) dst(%dma_wait3A_72 : memref<1024xi32, #tpu.memory_space<vmem>>)
      tpu.yield
    }) : () -> ()
    "tpu.region"() ({
      %run_scoped3A = tpu.sem_alloc : memref<!tpu.dma_semaphore, #tpu.memory_space<semaphore_mem>>
      %dma_start3A_62 = arith.constant 1024 : i32
      %dma_start3A_63 = tpu.memref_slice %arg8[%dma_start3A_62] : memref<2048xi32, #tpu.memory_space<vmem>> -> memref<1024xi32, #tpu.memory_space<vmem>>
      %dma_start3A_64 = tpu.memref_slice %arg5[%mul3A_2] : memref<32768xi32, #tpu.memory_space<hbm>> -> memref<1024xi32, #tpu.memory_space<hbm>>
      %dma_start3A_65 = arith.constant 1024 : i32
      %dma_start3A_66 = tpu.memref_slice %arg8[%dma_start3A_65] : memref<2048xi32, #tpu.memory_space<vmem>> -> memref<1024xi32, #tpu.memory_space<vmem>>
      %dma_start3A_67 = tpu.memref_slice %arg5[%mul3A_2] : memref<32768xi32, #tpu.memory_space<hbm>> -> memref<1024xi32, #tpu.memory_space<hbm>>
      tpu.enqueue_dma source(%dma_start3A_67 : memref<1024xi32, #tpu.memory_space<hbm>>) target(%dma_start3A_66 : memref<1024xi32, #tpu.memory_space<vmem>>) target_semaphore(%run_scoped3A : memref<!tpu.dma_semaphore, #tpu.memory_space<semaphore_mem>>)
      %dma_wait3A_68 = arith.constant 1024 : i32
      %dma_wait3A_69 = tpu.memref_slice %arg8[%dma_wait3A_68] : memref<2048xi32, #tpu.memory_space<vmem>> -> memref<1024xi32, #tpu.memory_space<vmem>>
      %dma_wait3A_70 = tpu.memref_slice %arg5[%mul3A_2] : memref<32768xi32, #tpu.memory_space<hbm>> -> memref<1024xi32, #tpu.memory_space<hbm>>
      %dma_wait3A_71 = arith.constant 1024 : i32
      %dma_wait3A_72 = tpu.memref_slice %arg8[%dma_wait3A_71] : memref<2048xi32, #tpu.memory_space<vmem>> -> memref<1024xi32, #tpu.memory_space<vmem>>
      %dma_wait3A_73 = tpu.memref_slice %arg5[%mul3A_2] : memref<32768xi32, #tpu.memory_space<hbm>> -> memref<1024xi32, #tpu.memory_space<hbm>>
      tpu.wait_dma2 semaphore(%run_scoped3A : memref<!tpu.dma_semaphore, #tpu.memory_space<semaphore_mem>>) src(%dma_wait3A_73 : memref<1024xi32, #tpu.memory_space<hbm>>) dst(%dma_wait3A_72 : memref<1024xi32, #tpu.memory_space<vmem>>)
      tpu.yield
    }) : () -> ()
    %dma_start3A = arith.constant 0 : i32
    %dma_start3A_3 = tpu.memref_slice %arg8[%dma_start3A] : memref<2048xi32, #tpu.memory_space<vmem>> -> memref<32xi32, #tpu.memory_space<vmem>>
    %dma_start3A_4 = arith.constant 0 : i32
    %dma_start3A_5 = arith.constant 0 : i32
    %dma_start3A_6 = tpu.memref_slice %arg2[%dma_start3A_4, %dma_start3A_5] : memref<100000x1024xf32, #tpu.memory_space<hbm>> -> memref<100000x1024xf32, #tpu.memory_space<hbm>>
    tpu.enqueue_indirect_dma source(%dma_start3A_6 : memref<100000x1024xf32, #tpu.memory_space<hbm>>) target(%arg9 : memref<32x1024xf32, #tpu.memory_space<vmem>>) offsets(%dma_start3A_3 : memref<32xi32, #tpu.memory_space<vmem>>) semaphore(%arg11 : memref<!tpu.dma_semaphore, #tpu.memory_space<semaphore_mem>>)
    %dma_start3A_7 = arith.constant 32 : i32
    %dma_start3A_8 = tpu.memref_slice %arg8[%dma_start3A_7] : memref<2048xi32, #tpu.memory_space<vmem>> -> memref<32xi32, #tpu.memory_space<vmem>>
    %dma_start3A_9 = arith.constant 0 : i32
    %dma_start3A_10 = arith.constant 0 : i32
    %dma_start3A_11 = tpu.memref_slice %arg2[%dma_start3A_9, %dma_start3A_10] : memref<100000x1024xf32, #tpu.memory_space<hbm>> -> memref<100000x1024xf32, #tpu.memory_space<hbm>>
    tpu.enqueue_indirect_dma source(%dma_start3A_11 : memref<100000x1024xf32, #tpu.memory_space<hbm>>) target(%arg10 : memref<32x1024xf32, #tpu.memory_space<vmem>>) offsets(%dma_start3A_8 : memref<32xi32, #tpu.memory_space<vmem>>) semaphore(%arg12 : memref<!tpu.dma_semaphore, #tpu.memory_space<semaphore_mem>>)
    %scan3A = arith.constant 0 : i32
    %scan3A_12 = arith.constant 15 : i32
    %scan3A_13 = arith.addi %scan3A, %scan3A_12 : i32
    %scan3A_14 = arith.constant 1 : i32
    scf.for %scan3A_62 = %scan3A to %scan3A_13 step %scan3A_14  : i32 {
      %mul3A_63 = arith.constant 2 : i32
      %mul3A_64 = arith.muli %scan3A_62, %mul3A_63 : i32
      %add3A_65 = arith.constant 0 : i32
      %add3A_66 = arith.addi %add3A_65, %mul3A_64 : i32
      %add3A_67 = arith.constant 0 : i32
      %add3A_68 = arith.addi %add3A_66, %add3A_67 : i32
      %dma_wait3A_69 = arith.constant 0 : i32
      %dma_wait3A_70 = arith.constant 0 : i32
      %dma_wait3A_71 = tpu.memref_slice %arg2[%dma_wait3A_69, %dma_wait3A_70] : memref<100000x1024xf32, #tpu.memory_space<hbm>> -> memref<32x1024xf32, #tpu.memory_space<hbm>>
      %dma_wait3A_72 = arith.constant 0 : i32
      %dma_wait3A_73 = arith.constant 0 : i32
      %dma_wait3A_74 = tpu.memref_slice %arg2[%dma_wait3A_72, %dma_wait3A_73] : memref<100000x1024xf32, #tpu.memory_space<hbm>> -> memref<32x1024xf32, #tpu.memory_space<hbm>>
      tpu.wait_dma2 semaphore(%arg11 : memref<!tpu.dma_semaphore, #tpu.memory_space<semaphore_mem>>) src(%dma_wait3A_74 : memref<32x1024xf32, #tpu.memory_space<hbm>>) dst(%arg9 : memref<32x1024xf32, #tpu.memory_space<vmem>>)
      %mul3A_75 = arith.constant 32 : i32
      %mul3A_76 = arith.muli %add3A_68, %mul3A_75 : i32
      %add3A_77 = arith.addi %mul3A_2, %mul3A_76 : i32
      "tpu.region"() ({
        %run_scoped3A = tpu.sem_alloc : memref<!tpu.dma_semaphore, #tpu.memory_space<semaphore_mem>>
        %dma_start3A_109 = arith.constant 0 : i32
        %dma_start3A_110 = tpu.memref_slice %arg6[%add3A_77, %dma_start3A_109] : memref<32768x1024xf32, #tpu.memory_space<hbm>> -> memref<32x1024xf32, #tpu.memory_space<hbm>>
        %dma_start3A_111 = arith.constant 0 : i32
        %dma_start3A_112 = tpu.memref_slice %arg6[%add3A_77, %dma_start3A_111] : memref<32768x1024xf32, #tpu.memory_space<hbm>> -> memref<32x1024xf32, #tpu.memory_space<hbm>>
        tpu.enqueue_dma source(%arg9 : memref<32x1024xf32, #tpu.memory_space<vmem>>) target(%dma_start3A_112 : memref<32x1024xf32, #tpu.memory_space<hbm>>) target_semaphore(%run_scoped3A : memref<!tpu.dma_semaphore, #tpu.memory_space<semaphore_mem>>)
        %dma_wait3A_113 = arith.constant 0 : i32
        %dma_wait3A_114 = tpu.memref_slice %arg6[%add3A_77, %dma_wait3A_113] : memref<32768x1024xf32, #tpu.memory_space<hbm>> -> memref<32x1024xf32, #tpu.memory_space<hbm>>
        %dma_wait3A_115 = arith.constant 0 : i32
        %dma_wait3A_116 = tpu.memref_slice %arg6[%add3A_77, %dma_wait3A_115] : memref<32768x1024xf32, #tpu.memory_space<hbm>> -> memref<32x1024xf32, #tpu.memory_space<hbm>>
        tpu.wait_dma2 semaphore(%run_scoped3A : memref<!tpu.dma_semaphore, #tpu.memory_space<semaphore_mem>>) src(%arg9 : memref<32x1024xf32, #tpu.memory_space<vmem>>) dst(%dma_wait3A_116 : memref<32x1024xf32, #tpu.memory_space<hbm>>)
        tpu.yield
      }) : () -> ()
      %add3A_78 = arith.constant 2 : i32
      %add3A_79 = arith.addi %add3A_68, %add3A_78 : i32
      %mul3A_80 = arith.constant 32 : i32
      %mul3A_81 = arith.muli %add3A_79, %mul3A_80 : i32
      %add3A_82 = arith.constant 0 : i32
      %add3A_83 = arith.addi %add3A_82, %mul3A_81 : i32
      %dma_start3A_84 = tpu.memref_slice %arg8[%add3A_83] : memref<2048xi32, #tpu.memory_space<vmem>> -> memref<32xi32, #tpu.memory_space<vmem>>
      %dma_start3A_85 = arith.constant 0 : i32
      %dma_start3A_86 = arith.constant 0 : i32
      %dma_start3A_87 = tpu.memref_slice %arg2[%dma_start3A_85, %dma_start3A_86] : memref<100000x1024xf32, #tpu.memory_space<hbm>> -> memref<100000x1024xf32, #tpu.memory_space<hbm>>
      tpu.enqueue_indirect_dma source(%dma_start3A_87 : memref<100000x1024xf32, #tpu.memory_space<hbm>>) target(%arg9 : memref<32x1024xf32, #tpu.memory_space<vmem>>) offsets(%dma_start3A_84 : memref<32xi32, #tpu.memory_space<vmem>>) semaphore(%arg11 : memref<!tpu.dma_semaphore, #tpu.memory_space<semaphore_mem>>)
      %add3A_88 = arith.constant 1 : i32
      %add3A_89 = arith.addi %add3A_66, %add3A_88 : i32
      %dma_wait3A_90 = arith.constant 0 : i32
      %dma_wait3A_91 = arith.constant 0 : i32
      %dma_wait3A_92 = tpu.memref_slice %arg2[%dma_wait3A_90, %dma_wait3A_91] : memref<100000x1024xf32, #tpu.memory_space<hbm>> -> memref<32x1024xf32, #tpu.memory_space<hbm>>
      %dma_wait3A_93 = arith.constant 0 : i32
      %dma_wait3A_94 = arith.constant 0 : i32
      %dma_wait3A_95 = tpu.memref_slice %arg2[%dma_wait3A_93, %dma_wait3A_94] : memref<100000x1024xf32, #tpu.memory_space<hbm>> -> memref<32x1024xf32, #tpu.memory_space<hbm>>
      tpu.wait_dma2 semaphore(%arg12 : memref<!tpu.dma_semaphore, #tpu.memory_space<semaphore_mem>>) src(%dma_wait3A_95 : memref<32x1024xf32, #tpu.memory_space<hbm>>) dst(%arg10 : memref<32x1024xf32, #tpu.memory_space<vmem>>)
      %mul3A_96 = arith.constant 32 : i32
      %mul3A_97 = arith.muli %add3A_89, %mul3A_96 : i32
      %add3A_98 = arith.addi %mul3A_2, %mul3A_97 : i32
      "tpu.region"() ({
        %run_scoped3A = tpu.sem_alloc : memref<!tpu.dma_semaphore, #tpu.memory_space<semaphore_mem>>
        %dma_start3A_109 = arith.constant 0 : i32
        %dma_start3A_110 = tpu.memref_slice %arg6[%add3A_98, %dma_start3A_109] : memref<32768x1024xf32, #tpu.memory_space<hbm>> -> memref<32x1024xf32, #tpu.memory_space<hbm>>
        %dma_start3A_111 = arith.constant 0 : i32
        %dma_start3A_112 = tpu.memref_slice %arg6[%add3A_98, %dma_start3A_111] : memref<32768x1024xf32, #tpu.memory_space<hbm>> -> memref<32x1024xf32, #tpu.memory_space<hbm>>
        tpu.enqueue_dma source(%arg10 : memref<32x1024xf32, #tpu.memory_space<vmem>>) target(%dma_start3A_112 : memref<32x1024xf32, #tpu.memory_space<hbm>>) target_semaphore(%run_scoped3A : memref<!tpu.dma_semaphore, #tpu.memory_space<semaphore_mem>>)
        %dma_wait3A_113 = arith.constant 0 : i32
        %dma_wait3A_114 = tpu.memref_slice %arg6[%add3A_98, %dma_wait3A_113] : memref<32768x1024xf32, #tpu.memory_space<hbm>> -> memref<32x1024xf32, #tpu.memory_space<hbm>>
        %dma_wait3A_115 = arith.constant 0 : i32
        %dma_wait3A_116 = tpu.memref_slice %arg6[%add3A_98, %dma_wait3A_115] : memref<32768x1024xf32, #tpu.memory_space<hbm>> -> memref<32x1024xf32, #tpu.memory_space<hbm>>
        tpu.wait_dma2 semaphore(%run_scoped3A : memref<!tpu.dma_semaphore, #tpu.memory_space<semaphore_mem>>) src(%arg10 : memref<32x1024xf32, #tpu.memory_space<vmem>>) dst(%dma_wait3A_116 : memref<32x1024xf32, #tpu.memory_space<hbm>>)
        tpu.yield
      }) : () -> ()
      %add3A_99 = arith.constant 2 : i32
      %add3A_100 = arith.addi %add3A_89, %add3A_99 : i32
      %mul3A_101 = arith.constant 32 : i32
      %mul3A_102 = arith.muli %add3A_100, %mul3A_101 : i32
      %add3A_103 = arith.constant 0 : i32
      %add3A_104 = arith.addi %add3A_103, %mul3A_102 : i32
      %dma_start3A_105 = tpu.memref_slice %arg8[%add3A_104] : memref<2048xi32, #tpu.memory_space<vmem>> -> memref<32xi32, #tpu.memory_space<vmem>>
      %dma_start3A_106 = arith.constant 0 : i32
      %dma_start3A_107 = arith.constant 0 : i32
      %dma_start3A_108 = tpu.memref_slice %arg2[%dma_start3A_106, %dma_start3A_107] : memref<100000x1024xf32, #tpu.memory_space<hbm>> -> memref<100000x1024xf32, #tpu.memory_space<hbm>>
      tpu.enqueue_indirect_dma source(%dma_start3A_108 : memref<100000x1024xf32, #tpu.memory_space<hbm>>) target(%arg10 : memref<32x1024xf32, #tpu.memory_space<vmem>>) offsets(%dma_start3A_105 : memref<32xi32, #tpu.memory_space<vmem>>) semaphore(%arg12 : memref<!tpu.dma_semaphore, #tpu.memory_space<semaphore_mem>>)
    }
    %scan3A_15 = arith.constant 15 : i32
    %dma_wait3A = arith.constant 0 : i32
    %dma_wait3A_16 = arith.constant 0 : i32
    %dma_wait3A_17 = tpu.memref_slice %arg2[%dma_wait3A, %dma_wait3A_16] : memref<100000x1024xf32, #tpu.memory_space<hbm>> -> memref<32x1024xf32, #tpu.memory_space<hbm>>
    %dma_wait3A_18 = arith.constant 0 : i32
    %dma_wait3A_19 = arith.constant 0 : i32
    %dma_wait3A_20 = tpu.memref_slice %arg2[%dma_wait3A_18, %dma_wait3A_19] : memref<100000x1024xf32, #tpu.memory_space<hbm>> -> memref<32x1024xf32, #tpu.memory_space<hbm>>
    tpu.wait_dma2 semaphore(%arg11 : memref<!tpu.dma_semaphore, #tpu.memory_space<semaphore_mem>>) src(%dma_wait3A_20 : memref<32x1024xf32, #tpu.memory_space<hbm>>) dst(%arg9 : memref<32x1024xf32, #tpu.memory_space<vmem>>)
    %add3A_21 = arith.constant 960 : i32
    %add3A_22 = arith.addi %mul3A_2, %add3A_21 : i32
    "tpu.region"() ({
      %run_scoped3A = tpu.sem_alloc : memref<!tpu.dma_semaphore, #tpu.memory_space<semaphore_mem>>
      %dma_start3A_62 = arith.constant 0 : i32
      %dma_start3A_63 = tpu.memref_slice %arg6[%add3A_22, %dma_start3A_62] : memref<32768x1024xf32, #tpu.memory_space<hbm>> -> memref<32x1024xf32, #tpu.memory_space<hbm>>
      %dma_start3A_64 = arith.constant 0 : i32
      %dma_start3A_65 = tpu.memref_slice %arg6[%add3A_22, %dma_start3A_64] : memref<32768x1024xf32, #tpu.memory_space<hbm>> -> memref<32x1024xf32, #tpu.memory_space<hbm>>
      tpu.enqueue_dma source(%arg9 : memref<32x1024xf32, #tpu.memory_space<vmem>>) target(%dma_start3A_65 : memref<32x1024xf32, #tpu.memory_space<hbm>>) target_semaphore(%run_scoped3A : memref<!tpu.dma_semaphore, #tpu.memory_space<semaphore_mem>>)
      %dma_wait3A_66 = arith.constant 0 : i32
      %dma_wait3A_67 = tpu.memref_slice %arg6[%add3A_22, %dma_wait3A_66] : memref<32768x1024xf32, #tpu.memory_space<hbm>> -> memref<32x1024xf32, #tpu.memory_space<hbm>>
      %dma_wait3A_68 = arith.constant 0 : i32
      %dma_wait3A_69 = tpu.memref_slice %arg6[%add3A_22, %dma_wait3A_68] : memref<32768x1024xf32, #tpu.memory_space<hbm>> -> memref<32x1024xf32, #tpu.memory_space<hbm>>
      tpu.wait_dma2 semaphore(%run_scoped3A : memref<!tpu.dma_semaphore, #tpu.memory_space<semaphore_mem>>) src(%arg9 : memref<32x1024xf32, #tpu.memory_space<vmem>>) dst(%dma_wait3A_69 : memref<32x1024xf32, #tpu.memory_space<hbm>>)
      tpu.yield
    }) : () -> ()
    %dma_wait3A_23 = arith.constant 0 : i32
    %dma_wait3A_24 = arith.constant 0 : i32
    %dma_wait3A_25 = tpu.memref_slice %arg2[%dma_wait3A_23, %dma_wait3A_24] : memref<100000x1024xf32, #tpu.memory_space<hbm>> -> memref<32x1024xf32, #tpu.memory_space<hbm>>
    %dma_wait3A_26 = arith.constant 0 : i32
    %dma_wait3A_27 = arith.constant 0 : i32
    %dma_wait3A_28 = tpu.memref_slice %arg2[%dma_wait3A_26, %dma_wait3A_27] : memref<100000x1024xf32, #tpu.memory_space<hbm>> -> memref<32x1024xf32, #tpu.memory_space<hbm>>
    tpu.wait_dma2 semaphore(%arg12 : memref<!tpu.dma_semaphore, #tpu.memory_space<semaphore_mem>>) src(%dma_wait3A_28 : memref<32x1024xf32, #tpu.memory_space<hbm>>) dst(%arg10 : memref<32x1024xf32, #tpu.memory_space<vmem>>)
    %add3A_29 = arith.constant 992 : i32
    %add3A_30 = arith.addi %mul3A_2, %add3A_29 : i32
    "tpu.region"() ({
      %run_scoped3A = tpu.sem_alloc : memref<!tpu.dma_semaphore, #tpu.memory_space<semaphore_mem>>
      %dma_start3A_62 = arith.constant 0 : i32
      %dma_start3A_63 = tpu.memref_slice %arg6[%add3A_30, %dma_start3A_62] : memref<32768x1024xf32, #tpu.memory_space<hbm>> -> memref<32x1024xf32, #tpu.memory_space<hbm>>
      %dma_start3A_64 = arith.constant 0 : i32
      %dma_start3A_65 = tpu.memref_slice %arg6[%add3A_30, %dma_start3A_64] : memref<32768x1024xf32, #tpu.memory_space<hbm>> -> memref<32x1024xf32, #tpu.memory_space<hbm>>
      tpu.enqueue_dma source(%arg10 : memref<32x1024xf32, #tpu.memory_space<vmem>>) target(%dma_start3A_65 : memref<32x1024xf32, #tpu.memory_space<hbm>>) target_semaphore(%run_scoped3A : memref<!tpu.dma_semaphore, #tpu.memory_space<semaphore_mem>>)
      %dma_wait3A_66 = arith.constant 0 : i32
      %dma_wait3A_67 = tpu.memref_slice %arg6[%add3A_30, %dma_wait3A_66] : memref<32768x1024xf32, #tpu.memory_space<hbm>> -> memref<32x1024xf32, #tpu.memory_space<hbm>>
      %dma_wait3A_68 = arith.constant 0 : i32
      %dma_wait3A_69 = tpu.memref_slice %arg6[%add3A_30, %dma_wait3A_68] : memref<32768x1024xf32, #tpu.memory_space<hbm>> -> memref<32x1024xf32, #tpu.memory_space<hbm>>
      tpu.wait_dma2 semaphore(%run_scoped3A : memref<!tpu.dma_semaphore, #tpu.memory_space<semaphore_mem>>) src(%arg10 : memref<32x1024xf32, #tpu.memory_space<vmem>>) dst(%dma_wait3A_69 : memref<32x1024xf32, #tpu.memory_space<hbm>>)
      tpu.yield
    }) : () -> ()
    %dma_start3A_31 = arith.constant 1024 : i32
    %dma_start3A_32 = tpu.memref_slice %arg8[%dma_start3A_31] : memref<2048xi32, #tpu.memory_space<vmem>> -> memref<32xi32, #tpu.memory_space<vmem>>
    %dma_start3A_33 = arith.constant 0 : i32
    %dma_start3A_34 = arith.constant 0 : i32
    %dma_start3A_35 = tpu.memref_slice %arg3[%dma_start3A_33, %dma_start3A_34] : memref<100000x1024xf32, #tpu.memory_space<hbm>> -> memref<100000x1024xf32, #tpu.memory_space<hbm>>
    tpu.enqueue_indirect_dma source(%dma_start3A_35 : memref<100000x1024xf32, #tpu.memory_space<hbm>>) target(%arg9 : memref<32x1024xf32, #tpu.memory_space<vmem>>) offsets(%dma_start3A_32 : memref<32xi32, #tpu.memory_space<vmem>>) semaphore(%arg11 : memref<!tpu.dma_semaphore, #tpu.memory_space<semaphore_mem>>)
    %dma_start3A_36 = arith.constant 1056 : i32
    %dma_start3A_37 = tpu.memref_slice %arg8[%dma_start3A_36] : memref<2048xi32, #tpu.memory_space<vmem>> -> memref<32xi32, #tpu.memory_space<vmem>>
    %dma_start3A_38 = arith.constant 0 : i32
    %dma_start3A_39 = arith.constant 0 : i32
    %dma_start3A_40 = tpu.memref_slice %arg3[%dma_start3A_38, %dma_start3A_39] : memref<100000x1024xf32, #tpu.memory_space<hbm>> -> memref<100000x1024xf32, #tpu.memory_space<hbm>>
    tpu.enqueue_indirect_dma source(%dma_start3A_40 : memref<100000x1024xf32, #tpu.memory_space<hbm>>) target(%arg10 : memref<32x1024xf32, #tpu.memory_space<vmem>>) offsets(%dma_start3A_37 : memref<32xi32, #tpu.memory_space<vmem>>) semaphore(%arg12 : memref<!tpu.dma_semaphore, #tpu.memory_space<semaphore_mem>>)
    %scan3A_41 = arith.constant 0 : i32
    %scan3A_42 = arith.constant 15 : i32
    %scan3A_43 = arith.addi %scan3A_41, %scan3A_42 : i32
    %scan3A_44 = arith.constant 1 : i32
    scf.for %scan3A_62 = %scan3A_41 to %scan3A_43 step %scan3A_44  : i32 {
      %mul3A_63 = arith.constant 2 : i32
      %mul3A_64 = arith.muli %scan3A_62, %mul3A_63 : i32
      %add3A_65 = arith.constant 0 : i32
      %add3A_66 = arith.addi %add3A_65, %mul3A_64 : i32
      %add3A_67 = arith.constant 0 : i32
      %add3A_68 = arith.addi %add3A_66, %add3A_67 : i32
      %dma_wait3A_69 = arith.constant 0 : i32
      %dma_wait3A_70 = arith.constant 0 : i32
      %dma_wait3A_71 = tpu.memref_slice %arg3[%dma_wait3A_69, %dma_wait3A_70] : memref<100000x1024xf32, #tpu.memory_space<hbm>> -> memref<32x1024xf32, #tpu.memory_space<hbm>>
      %dma_wait3A_72 = arith.constant 0 : i32
      %dma_wait3A_73 = arith.constant 0 : i32
      %dma_wait3A_74 = tpu.memref_slice %arg3[%dma_wait3A_72, %dma_wait3A_73] : memref<100000x1024xf32, #tpu.memory_space<hbm>> -> memref<32x1024xf32, #tpu.memory_space<hbm>>
      tpu.wait_dma2 semaphore(%arg11 : memref<!tpu.dma_semaphore, #tpu.memory_space<semaphore_mem>>) src(%dma_wait3A_74 : memref<32x1024xf32, #tpu.memory_space<hbm>>) dst(%arg9 : memref<32x1024xf32, #tpu.memory_space<vmem>>)
      %mul3A_75 = arith.constant 32 : i32
      %mul3A_76 = arith.muli %add3A_68, %mul3A_75 : i32
      %add3A_77 = arith.addi %mul3A_2, %mul3A_76 : i32
      "tpu.region"() ({
        %run_scoped3A = tpu.sem_alloc : memref<!tpu.dma_semaphore, #tpu.memory_space<semaphore_mem>>
        %dma_start3A_109 = arith.constant 0 : i32
        %dma_start3A_110 = tpu.memref_slice %arg7[%add3A_77, %dma_start3A_109] : memref<32768x1024xf32, #tpu.memory_space<hbm>> -> memref<32x1024xf32, #tpu.memory_space<hbm>>
        %dma_start3A_111 = arith.constant 0 : i32
        %dma_start3A_112 = tpu.memref_slice %arg7[%add3A_77, %dma_start3A_111] : memref<32768x1024xf32, #tpu.memory_space<hbm>> -> memref<32x1024xf32, #tpu.memory_space<hbm>>
        tpu.enqueue_dma source(%arg9 : memref<32x1024xf32, #tpu.memory_space<vmem>>) target(%dma_start3A_112 : memref<32x1024xf32, #tpu.memory_space<hbm>>) target_semaphore(%run_scoped3A : memref<!tpu.dma_semaphore, #tpu.memory_space<semaphore_mem>>)
        %dma_wait3A_113 = arith.constant 0 : i32
        %dma_wait3A_114 = tpu.memref_slice %arg7[%add3A_77, %dma_wait3A_113] : memref<32768x1024xf32, #tpu.memory_space<hbm>> -> memref<32x1024xf32, #tpu.memory_space<hbm>>
        %dma_wait3A_115 = arith.constant 0 : i32
        %dma_wait3A_116 = tpu.memref_slice %arg7[%add3A_77, %dma_wait3A_115] : memref<32768x1024xf32, #tpu.memory_space<hbm>> -> memref<32x1024xf32, #tpu.memory_space<hbm>>
        tpu.wait_dma2 semaphore(%run_scoped3A : memref<!tpu.dma_semaphore, #tpu.memory_space<semaphore_mem>>) src(%arg9 : memref<32x1024xf32, #tpu.memory_space<vmem>>) dst(%dma_wait3A_116 : memref<32x1024xf32, #tpu.memory_space<hbm>>)
        tpu.yield
      }) : () -> ()
      %add3A_78 = arith.constant 2 : i32
      %add3A_79 = arith.addi %add3A_68, %add3A_78 : i32
      %mul3A_80 = arith.constant 32 : i32
      %mul3A_81 = arith.muli %add3A_79, %mul3A_80 : i32
      %add3A_82 = arith.constant 1024 : i32
      %add3A_83 = arith.addi %add3A_82, %mul3A_81 : i32
      %dma_start3A_84 = tpu.memref_slice %arg8[%add3A_83] : memref<2048xi32, #tpu.memory_space<vmem>> -> memref<32xi32, #tpu.memory_space<vmem>>
      %dma_start3A_85 = arith.constant 0 : i32
      %dma_start3A_86 = arith.constant 0 : i32
      %dma_start3A_87 = tpu.memref_slice %arg3[%dma_start3A_85, %dma_start3A_86] : memref<100000x1024xf32, #tpu.memory_space<hbm>> -> memref<100000x1024xf32, #tpu.memory_space<hbm>>
      tpu.enqueue_indirect_dma source(%dma_start3A_87 : memref<100000x1024xf32, #tpu.memory_space<hbm>>) target(%arg9 : memref<32x1024xf32, #tpu.memory_space<vmem>>) offsets(%dma_start3A_84 : memref<32xi32, #tpu.memory_space<vmem>>) semaphore(%arg11 : memref<!tpu.dma_semaphore, #tpu.memory_space<semaphore_mem>>)
      %add3A_88 = arith.constant 1 : i32
      %add3A_89 = arith.addi %add3A_66, %add3A_88 : i32
      %dma_wait3A_90 = arith.constant 0 : i32
      %dma_wait3A_91 = arith.constant 0 : i32
      %dma_wait3A_92 = tpu.memref_slice %arg3[%dma_wait3A_90, %dma_wait3A_91] : memref<100000x1024xf32, #tpu.memory_space<hbm>> -> memref<32x1024xf32, #tpu.memory_space<hbm>>
      %dma_wait3A_93 = arith.constant 0 : i32
      %dma_wait3A_94 = arith.constant 0 : i32
      %dma_wait3A_95 = tpu.memref_slice %arg3[%dma_wait3A_93, %dma_wait3A_94] : memref<100000x1024xf32, #tpu.memory_space<hbm>> -> memref<32x1024xf32, #tpu.memory_space<hbm>>
      tpu.wait_dma2 semaphore(%arg12 : memref<!tpu.dma_semaphore, #tpu.memory_space<semaphore_mem>>) src(%dma_wait3A_95 : memref<32x1024xf32, #tpu.memory_space<hbm>>) dst(%arg10 : memref<32x1024xf32, #tpu.memory_space<vmem>>)
      %mul3A_96 = arith.constant 32 : i32
      %mul3A_97 = arith.muli %add3A_89, %mul3A_96 : i32
      %add3A_98 = arith.addi %mul3A_2, %mul3A_97 : i32
      "tpu.region"() ({
        %run_scoped3A = tpu.sem_alloc : memref<!tpu.dma_semaphore, #tpu.memory_space<semaphore_mem>>
        %dma_start3A_109 = arith.constant 0 : i32
        %dma_start3A_110 = tpu.memref_slice %arg7[%add3A_98, %dma_start3A_109] : memref<32768x1024xf32, #tpu.memory_space<hbm>> -> memref<32x1024xf32, #tpu.memory_space<hbm>>
        %dma_start3A_111 = arith.constant 0 : i32
        %dma_start3A_112 = tpu.memref_slice %arg7[%add3A_98, %dma_start3A_111] : memref<32768x1024xf32, #tpu.memory_space<hbm>> -> memref<32x1024xf32, #tpu.memory_space<hbm>>
        tpu.enqueue_dma source(%arg10 : memref<32x1024xf32, #tpu.memory_space<vmem>>) target(%dma_start3A_112 : memref<32x1024xf32, #tpu.memory_space<hbm>>) target_semaphore(%run_scoped3A : memref<!tpu.dma_semaphore, #tpu.memory_space<semaphore_mem>>)
        %dma_wait3A_113 = arith.constant 0 : i32
        %dma_wait3A_114 = tpu.memref_slice %arg7[%add3A_98, %dma_wait3A_113] : memref<32768x1024xf32, #tpu.memory_space<hbm>> -> memref<32x1024xf32, #tpu.memory_space<hbm>>
        %dma_wait3A_115 = arith.constant 0 : i32
        %dma_wait3A_116 = tpu.memref_slice %arg7[%add3A_98, %dma_wait3A_115] : memref<32768x1024xf32, #tpu.memory_space<hbm>> -> memref<32x1024xf32, #tpu.memory_space<hbm>>
        tpu.wait_dma2 semaphore(%run_scoped3A : memref<!tpu.dma_semaphore, #tpu.memory_space<semaphore_mem>>) src(%arg10 : memref<32x1024xf32, #tpu.memory_space<vmem>>) dst(%dma_wait3A_116 : memref<32x1024xf32, #tpu.memory_space<hbm>>)
        tpu.yield
      }) : () -> ()
      %add3A_99 = arith.constant 2 : i32
      %add3A_100 = arith.addi %add3A_89, %add3A_99 : i32
      %mul3A_101 = arith.constant 32 : i32
      %mul3A_102 = arith.muli %add3A_100, %mul3A_101 : i32
      %add3A_103 = arith.constant 1024 : i32
      %add3A_104 = arith.addi %add3A_103, %mul3A_102 : i32
      %dma_start3A_105 = tpu.memref_slice %arg8[%add3A_104] : memref<2048xi32, #tpu.memory_space<vmem>> -> memref<32xi32, #tpu.memory_space<vmem>>
      %dma_start3A_106 = arith.constant 0 : i32
      %dma_start3A_107 = arith.constant 0 : i32
      %dma_start3A_108 = tpu.memref_slice %arg3[%dma_start3A_106, %dma_start3A_107] : memref<100000x1024xf32, #tpu.memory_space<hbm>> -> memref<100000x1024xf32, #tpu.memory_space<hbm>>
      tpu.enqueue_indirect_dma source(%dma_start3A_108 : memref<100000x1024xf32, #tpu.memory_space<hbm>>) target(%arg10 : memref<32x1024xf32, #tpu.memory_space<vmem>>) offsets(%dma_start3A_105 : memref<32xi32, #tpu.memory_space<vmem>>) semaphore(%arg12 : memref<!tpu.dma_semaphore, #tpu.memory_space<semaphore_mem>>)
    }
    %scan3A_45 = arith.constant 15 : i32
    %dma_wait3A_46 = arith.constant 0 : i32
    %dma_wait3A_47 = arith.constant 0 : i32
    %dma_wait3A_48 = tpu.memref_slice %arg3[%dma_wait3A_46, %dma_wait3A_47] : memref<100000x1024xf32, #tpu.memory_space<hbm>> -> memref<32x1024xf32, #tpu.memory_space<hbm>>
    %dma_wait3A_49 = arith.constant 0 : i32
    %dma_wait3A_50 = arith.constant 0 : i32
    %dma_wait3A_51 = tpu.memref_slice %arg3[%dma_wait3A_49, %dma_wait3A_50] : memref<100000x1024xf32, #tpu.memory_space<hbm>> -> memref<32x1024xf32, #tpu.memory_space<hbm>>
    tpu.wait_dma2 semaphore(%arg11 : memref<!tpu.dma_semaphore, #tpu.memory_space<semaphore_mem>>) src(%dma_wait3A_51 : memref<32x1024xf32, #tpu.memory_space<hbm>>) dst(%arg9 : memref<32x1024xf32, #tpu.memory_space<vmem>>)
    %add3A_52 = arith.constant 960 : i32
    %add3A_53 = arith.addi %mul3A_2, %add3A_52 : i32
    "tpu.region"() ({
      %run_scoped3A = tpu.sem_alloc : memref<!tpu.dma_semaphore, #tpu.memory_space<semaphore_mem>>
      %dma_start3A_62 = arith.constant 0 : i32
      %dma_start3A_63 = tpu.memref_slice %arg7[%add3A_53, %dma_start3A_62] : memref<32768x1024xf32, #tpu.memory_space<hbm>> -> memref<32x1024xf32, #tpu.memory_space<hbm>>
      %dma_start3A_64 = arith.constant 0 : i32
      %dma_start3A_65 = tpu.memref_slice %arg7[%add3A_53, %dma_start3A_64] : memref<32768x1024xf32, #tpu.memory_space<hbm>> -> memref<32x1024xf32, #tpu.memory_space<hbm>>
      tpu.enqueue_dma source(%arg9 : memref<32x1024xf32, #tpu.memory_space<vmem>>) target(%dma_start3A_65 : memref<32x1024xf32, #tpu.memory_space<hbm>>) target_semaphore(%run_scoped3A : memref<!tpu.dma_semaphore, #tpu.memory_space<semaphore_mem>>)
      %dma_wait3A_66 = arith.constant 0 : i32
      %dma_wait3A_67 = tpu.memref_slice %arg7[%add3A_53, %dma_wait3A_66] : memref<32768x1024xf32, #tpu.memory_space<hbm>> -> memref<32x1024xf32, #tpu.memory_space<hbm>>
      %dma_wait3A_68 = arith.constant 0 : i32
      %dma_wait3A_69 = tpu.memref_slice %arg7[%add3A_53, %dma_wait3A_68] : memref<32768x1024xf32, #tpu.memory_space<hbm>> -> memref<32x1024xf32, #tpu.memory_space<hbm>>
      tpu.wait_dma2 semaphore(%run_scoped3A : memref<!tpu.dma_semaphore, #tpu.memory_space<semaphore_mem>>) src(%arg9 : memref<32x1024xf32, #tpu.memory_space<vmem>>) dst(%dma_wait3A_69 : memref<32x1024xf32, #tpu.memory_space<hbm>>)
      tpu.yield
    }) : () -> ()
    %dma_wait3A_54 = arith.constant 0 : i32
    %dma_wait3A_55 = arith.constant 0 : i32
    %dma_wait3A_56 = tpu.memref_slice %arg3[%dma_wait3A_54, %dma_wait3A_55] : memref<100000x1024xf32, #tpu.memory_space<hbm>> -> memref<32x1024xf32, #tpu.memory_space<hbm>>
    %dma_wait3A_57 = arith.constant 0 : i32
    %dma_wait3A_58 = arith.constant 0 : i32
    %dma_wait3A_59 = tpu.memref_slice %arg3[%dma_wait3A_57, %dma_wait3A_58] : memref<100000x1024xf32, #tpu.memory_space<hbm>> -> memref<32x1024xf32, #tpu.memory_space<hbm>>
    tpu.wait_dma2 semaphore(%arg12 : memref<!tpu.dma_semaphore, #tpu.memory_space<semaphore_mem>>) src(%dma_wait3A_59 : memref<32x1024xf32, #tpu.memory_space<hbm>>) dst(%arg10 : memref<32x1024xf32, #tpu.memory_space<vmem>>)
    %add3A_60 = arith.constant 992 : i32
    %add3A_61 = arith.addi %mul3A_2, %add3A_60 : i32
    "tpu.region"() ({
      %run_scoped3A = tpu.sem_alloc : memref<!tpu.dma_semaphore, #tpu.memory_space<semaphore_mem>>
      %dma_start3A_62 = arith.constant 0 : i32
      %dma_start3A_63 = tpu.memref_slice %arg7[%add3A_61, %dma_start3A_62] : memref<32768x1024xf32, #tpu.memory_space<hbm>> -> memref<32x1024xf32, #tpu.memory_space<hbm>>
      %dma_start3A_64 = arith.constant 0 : i32
      %dma_start3A_65 = tpu.memref_slice %arg7[%add3A_61, %dma_start3A_64] : memref<32768x1024xf32, #tpu.memory_space<hbm>> -> memref<32x1024xf32, #tpu.memory_space<hbm>>
      tpu.enqueue_dma source(%arg10 : memref<32x1024xf32, #tpu.memory_space<vmem>>) target(%dma_start3A_65 : memref<32x1024xf32, #tpu.memory_space<hbm>>) target_semaphore(%run_scoped3A : memref<!tpu.dma_semaphore, #tpu.memory_space<semaphore_mem>>)
      %dma_wait3A_66 = arith.constant 0 : i32
      %dma_wait3A_67 = tpu.memref_slice %arg7[%add3A_61, %dma_wait3A_66] : memref<32768x1024xf32, #tpu.memory_space<hbm>> -> memref<32x1024xf32, #tpu.memory_space<hbm>>
      %dma_wait3A_68 = arith.constant 0 : i32
      %dma_wait3A_69 = tpu.memref_slice %arg7[%add3A_61, %dma_wait3A_68] : memref<32768x1024xf32, #tpu.memory_space<hbm>> -> memref<32x1024xf32, #tpu.memory_space<hbm>>
      tpu.wait_dma2 semaphore(%run_scoped3A : memref<!tpu.dma_semaphore, #tpu.memory_space<semaphore_mem>>) src(%arg10 : memref<32x1024xf32, #tpu.memory_space<vmem>>) dst(%dma_wait3A_69 : memref<32x1024xf32, #tpu.memory_space<hbm>>)
      tpu.yield
    }) : () -> ()
    return
  }
}

</mosaic_0001>

<sc_bundles>
// kernel: kernel.3.cloned.1.call-start
scs
__scs_entry_jumppad:
0x0: {  	(pc) =	sbr.rel $0x88, $3  }
0x1: {  	(tag) =	ssettag $0x0;
	lr =	simm.s32 $0x1  }
0x2: {  	[smem:$0x3F9D] =	sst lr;
	_ =	strace $0xD0000000  }
0x3: {  	_ = 	snop  }
0x4: {  	_ = 	snop  }
0x5: {  	_ = 	snop  }
0x6: {  	_ = 	snop  }
0x7: {  	_ = 	snop  }
__scs_overlays_trampoline_lowered:
0x8: {  	[smem:$0x3FAC] =	sst s0  }
0x9: {  	[smem:$0x3FAD] =	sst s1  }
0xa: {  	[smem:$0x3FAE] =	sst s2  }
0xb: {  	[smem:$0x3FAF] =	sst s3  }
0xc: {  	[smem:$0x3FB0] =	sst s4  }
0xd: {  	[smem:$0x3FB1] =	sst s5  }
0xe: {  	[smem:$0x3FB2] =	sst s6  }
0xf: {  	[smem:$0x3FB3] =	sst s7  }
0x10: {  	[smem:$0x3FB4] =	sst s8  }
0x11: {  	[smem:$0x3FB5] =	sst s9;
	s0 =	simm.s32 @!p0 $0x0  }
0x12: {  	s1 =	sld [smem:$0x3F9B];
	s0 =	simm.s32 @p0 $0x1  }
0x13: {  	[smem:$0x3FB6] =	sst s0;
	s0 =	simm.s32 @!p1 $0x0  }
0x14: {  	s2 =	sld [smem:$0x3F9A];
	s0 =	simm.s32 @p1 $0x1  }
0x15: {  	[smem:$0x3FB7] =	sst s0;
	s0 =	simm.s32 @!p2 $0x0  }
0x16: {  	s3 =	sld [smem:$0x3FDB];
	s0 =	simm.s32 @p2 $0x1  }
0x17: {  	s4 =	simm.s32 $0x1BF5;
	[smem:$0x3FB9] =	sst s0  }
0x18: {  	s0 =	sld [smem:$0x3F9C];
	_ =	swait.ge [sflag:s4], $0x0  }
0x19: {  	s7 =	sld [smem:$0x3F9D]  }
0x1a: {  	s8 =	sadd.s32 $0xFFFFE003, lr  }
0x1b: {  	s9 =	sadd.s32 $0xFFFFFEF7, lr;
	s5 =	simm.s32 $0xFFFFFFFF;
	p2 =	slt.u32 s8, $0xFFFFF086  }
0x1c: {  	p1 =	slt.u32 s9, $0xF7A;
	s5 =	simm.s32 @!p2 $0x0  }
0x1d: {  	s5 =	simm.s32 @p1 $0x1;
	p0 =	seq.s32 s7, s2  }
0x1e: {  	s7 =	smul.u32 @!p0 $0xF7A, s2;
	p2 =	seq.s32 @!p0 s5, $0x0  }
0x1f: {  	s9 =	smul.u32 $0xF7A, s1;
	s8 =	simm.s32 @!p0 $0x1BF5;
	p2 =	por !p2, p0  }
0x20: {  	[sflag:s8] =	ssyncset.s32 @!p0 $0xFFFFF086;
	s6 =	sadd.s32 @!p0 s3, s7;
	s7 =	simm.s32 @!p0 $0x108  }
0x21: {  	s3 =	sadd.s32 s3, s9;
	s6 =	sadd.s32 @!p0 $0x88, s6;
	s7 =	simm.s32 @p2 $0x1082  }
0x22: {  	[simem:s7], [sflag:s8] =	dma.local @!p0 [hbm:s6], $0xF7A  }
0x23: {  	s9 =	sor.u32 $0xD0000000, s2;
	s6 =	simm.s32 $0x108;
	_ =	swait.ge @!p0 [sflag:s8], $0x0  }
0x24: {  	s3 =	sadd.s32 $0x88, s3;
	s6 =	simm.s32 @!p1 $0x1082;
	[sflag:s4] =	ssyncset.s32 $0xFFFFF086  }
0x25: {  	[simem:s6], [sflag:s4] =	dma.local [hbm:s3], $0xF7A  }
0x26: {  	[smem:$0x3F9D] =	sst s1;
	(tag) =	ssettag s2;
	_ =	strace s9  }
0x27: {  	s1 =	sld [smem:$0x3FAD]  }
0x28: {  	s2 =	sld [smem:$0x3FAE]  }
0x29: {  	s4 =	sld [smem:$0x3FB0]  }
0x2a: {  	p0 =	seq.s32 s5, $0x0;
	s5 =	sld [smem:$0x3FB1]  }
0x2b: {  	s6 =	sld [smem:$0x3FB2]  }
0x2c: {  	s7 =	sld [smem:$0x3FB3]  }
0x2d: {  	s3 =	simm.s32 $0x108;
	s8 =	sld [smem:$0x3FB4]  }
0x2e: {  	s3 =	simm.s32 @!p0 $0x1082;
	s9 =	sld [smem:$0x3FB5]  }
0x2f: {  	lr =	sadd.s32 s0, s3;
	s0 =	sld [smem:$0x3FAC]  }
0x30: {  	s3 =	sld [smem:$0x3FAF]  }
0x31: {  	[smem:$0x3FB8] =	sst s10  }
0x32: {  	s10 =	sld [smem:$0x3FB6];
	_ =	sdelay $0x3  }
0x33: {  	p0 =	seq.s32 s10, $0x1;
	s10 =	sld [smem:$0x3FB8];
	_ =	sdelay $0x3  }
0x34: {  	[smem:$0x3FB8] =	sst s10  }
0x35: {  	s10 =	sld [smem:$0x3FB7];
	_ =	sdelay $0x3  }
0x36: {  	p1 =	seq.s32 s10, $0x1;
	s10 =	sld [smem:$0x3FB8];
	_ =	sdelay $0x3  }
0x37: {  	[smem:$0x3FB8] =	sst s10  }
0x38: {  	s10 =	sld [smem:$0x3FB9]  }
0x39: {  	_ = 	snop;
	(pc) =	sbr.ind lr, $3  }
0x3a: {  	_ = 	snop  }
0x3b: {  	_ = 	snop  }
0x3c: {  	p2 =	seq.s32 s10, $0x1;
	s10 =	sld [smem:$0x3FB8]  }
0x3d: {  	_ =	shalt  }
0x3e: {  	_ =	shalt  }
0x3f: {  	_ =	shalt  }
0x40: {  	_ =	shalt  }
0x41: {  	_ =	shalt  }
0x42: {  	_ =	shalt  }
0x43: {  	_ =	shalt  }
0x44: {  	_ =	shalt  }
0x45: {  	_ =	shalt  }
0x46: {  	_ =	shalt  }
0x47: {  	_ =	shalt  }
0x48: {  	_ =	shalt  }
0x49: {  	_ =	shalt  }
0x4a: {  	_ =	shalt  }
0x4b: {  	_ =	shalt  }
0x4c: {  	_ =	shalt  }
0x4d: {  	_ =	shalt  }
0x4e: {  	_ =	shalt  }
0x4f: {  	_ =	shalt  }
0x50: {  	_ =	shalt  }
0x51: {  	_ =	shalt  }
0x52: {  	_ =	shalt  }
0x53: {  	_ =	shalt  }
0x54: {  	_ =	shalt  }
0x55: {  	_ =	shalt  }
0x56: {  	_ =	shalt  }
0x57: {  	_ =	shalt  }
0x58: {  	_ =	shalt  }
0x59: {  	_ =	shalt  }
0x5a: {  	_ =	shalt  }
0x5b: {  	_ =	shalt  }
0x5c: {  	_ =	shalt  }
0x5d: {  	_ =	shalt  }
0x5e: {  	_ =	shalt  }
0x5f: {  	_ =	shalt  }
0x60: {  	_ =	shalt  }
0x61: {  	_ =	shalt  }
0x62: {  	_ =	shalt  }
0x63: {  	_ =	shalt  }
0x64: {  	_ =	shalt  }
0x65: {  	_ =	shalt  }
0x66: {  	_ =	shalt  }
0x67: {  	_ =	shalt  }
0x68: {  	_ =	shalt  }
0x69: {  	_ =	shalt  }
0x6a: {  	_ =	shalt  }
0x6b: {  	_ =	shalt  }
0x6c: {  	_ =	shalt  }
0x6d: {  	_ =	shalt  }
0x6e: {  	_ =	shalt  }
0x6f: {  	_ =	shalt  }
0x70: {  	_ =	shalt  }
0x71: {  	_ =	shalt  }
0x72: {  	_ =	shalt  }
0x73: {  	_ =	shalt  }
0x74: {  	_ =	shalt  }
0x75: {  	_ =	shalt  }
0x76: {  	_ =	shalt  }
0x77: {  	_ =	shalt  }
0x78: {  	_ =	shalt  }
0x79: {  	_ =	shalt  }
0x7a: {  	_ =	shalt  }
0x7b: {  	_ =	shalt  }
0x7c: {  	_ =	shalt  }
0x7d: {  	_ =	shalt  }
0x7e: {  	_ =	shalt  }
0x7f: {  	_ =	shalt  }
0x80: {  	_ =	shalt  }
0x81: {  	_ =	shalt  }
0x82: {  	_ =	shalt  }
0x83: {  	_ =	shalt  }
0x84: {  	_ =	shalt  }
0x85: {  	_ =	shalt  }
0x86: {  	_ =	shalt  }
0x87: {  	_ =	shalt  }
.Lfunc_end0:
.L_simem_size_0:
called_computation_lowered:
.L_overlay_start_0:
0x88: {  	s2 =	sld [smem:$0x3FD9]  }
0x89: {  	s3 =	sld [smem:$0x3FFE];
	_ =	sdelay $0x1  }
0x8a: {  	s1 =	srdreg.scid  }
0x8b: {  	s0 =	sand.u32 $0x1, s1  }
0x8c: {  	s14 =	sshll.u32 s0, $0xA;
	s2 =	sadd.s32 s3, s2  }
0x8d: {  	s2 =	sadd.s32 s2, s14  }
0x8e: {  	[smem:$0x3FC4] =	sst s2  }
0x8f: {  	_ = 	snop  }
0x90: {  	s2 =	sld [smem:$0x3FD0];
	_ =	sdelay $0x1  }
0x91: {  	s15 =	sld [smem:$0x3FC7]  }
0x92: {  	s5 =	simm.s32 $0xA;
	s6 =	simm.s32 $0x10;
	s4 =	sld [smem:$0x3FC6]  }
0x93: {  	[smem:s6], [sflag:s5] =	dma.local [hbm:s2], $0x1  }
0x94: {  	_ =	swait.eq [sflag:s5], $0x1  }
0x95: {  	[sflag:s5] =	ssyncset.done $0x0  }
0x96: {  	s16 =	sld [smem:$0x10];
	[sflag:s5] =	ssyncadd.s32 $0xFFFFFFFF  }
0x97: {  	s17 =	sld [smem:$0x11];
	(tm) =	ssettm $0x1  }
0x98: {  	s18 =	sld [smem:$0x3FFB];
	_ =	sdelay $0x3  }
0x99: {  	_ =	strace s18  }
0x9a: {  	s6 =	sld [smem:$0x3FFC];
	_ =	sdelay $0x3  }
0x9b: {  	_ =	strace s6  }
0x9c: {  	s6 =	sld [smem:$0x3FFD];
	_ =	sdelay $0x3  }
0x9d: {  	_ =	strace s6  }
0x9e: {  	_ =	strace $0x8FFFFFFF  }
0x9f: {  	s19 =	sld [smem:$0x3FDB];
	_ =	sdelay $0x1  }
0xa0: {  	s7 =	simm.s32 $_scs_section_size  }
0xa1: {  	s8 =	simm.s32 $_size__tile_overlayer_lowered;
	s9 =	simm.s32 $_tile_overlayer_lowered  }
0xa2: {  	s22 =	simm.s32 $0x1BFF;
	s21 =	sshll.u32 s9, $0x1;
	s6 =	sadd.s32 s7, s19  }
0xa3: {  	s10 =	simm.s32 $0x0;
	s20 =	sshll.u32 s8, $0x1;
	s8 =	sadd.s32 s21, s6  }
0xa4: {  	[timem:s10], [sflag:s22] =	dma.local [hbm:s8], s20  }
0xa5: {  	_ =	swait.ge [sflag:s22], s20  }
0xa6: {  	s7 =	ssub.s32 $0x0, s20;
	[sflag:s22] =	ssyncset.done $0x0  }
0xa7: {  	[sflag:s22] =	ssyncadd.s32 s7;
	_ =	sdelay $0x1  }
0xa8: {  	s23 =	simm.s32 $0x1B8B  }
0xa9: {  	_ =	swait.ge [sflag:s23], $0x1  }
0xaa: {  	[sflag:s23] =	ssyncset.done $0x0  }
0xab: {  	s25 =	simm.s32 $0x1B8E;
	s24 =	sld [smem:$0x3FFE];
	[sflag:s23] =	ssyncadd.s32 $0xFFFFFFFF  }
0xac: {  	s26 =	simm.s32 $execute0_lowered;
	[smem:$0x3FD2] =	sst s25  }
0xad: {  	s8 =	sshll.u32 s26, $0x1;
	_ =	strace $0x80000046;
	[dreg:$0x1] =	wrdreg $0xFFFFFFFF  }
0xae: {  	s28 =	simm.s32 $_size_execute0_lowered;
	s6 =	sadd.s32 s6, s8;
	[dreg:$0x0] =	wrdreg $0x0  }
0xaf: {  	s8 =	sshll.u32 s28, $0x1;
	[dreg:$0x2] =	wrdreg s6  }
0xb0: {  	[dreg:$0x3] =	wrdreg s8  }
0xb1: {  	[dreg:$0x4] =	wrdreg $0xC0  }
0xb2: {  	_ =	task [dreg:s10], $0x5FFFF  }
0xb3: {  	[dreg:$0x1] =	wrdreg $0xFFFFFFFF  }
0xb4: {  	[dreg:$0x0] =	wrdreg $0x60  }
0xb5: {  	[dreg:$0x2] =	wrdreg s15  }
0xb6: {  	[dreg:$0x3] =	wrdreg s4  }
0xb7: {  	[dreg:$0x4] =	wrdreg s24  }
0xb8: {  	[dreg:$0x5] =	wrdreg s16  }
0xb9: {  	[dreg:$0x6] =	wrdreg s17  }
0xba: {  	[dreg:$0x7] =	wrdreg $0x9  }
0xbb: {  	_ =	task.clear_ibuf [dreg:s10], $0x8FFFF;
	_ =	strace $0x90000046  }
0xbc: {  	s29 =	simm.s32 $0x9;
	_ =	strace $0x80000048  }
0xbd: {  	_ =	swait.ge [sflag:s29], $0x1  }
0xbe: {  	[sflag:s29] =	ssyncadd.s32 $0xFFFFFFFF  }
0xbf: {  	_ =	strace $0x90000048  }
0xc0: {  	_ =	sfence  }
0xc1: {  	s30 =	sld [smem:$0x0];
	_ =	sdelay $0x2  }
0xc2: {  	s31 =	sshll.u32 s1, $0xD;
	s1 =	sshrl.u32 s1, $0x2  }
0xc3: {  	s3 =	sand.u32 $0x4000, s31;
	s1 =	sadd.s32 s1, s30  }
0xc4: {  	s0 =	sor.u32 s3, s0;
	s1 =	sshll.u32 s1, $0x11  }
0xc5: {  	s0 =	sor.u32 s1, s0  }
0xc6: {  	s0 =	sadd.s32 $0x8F2B, s0  }
0xc7: {  	[sflag:s0] =	ssyncadd.remote.s32 $0x1  }
0xc8: {  	_ =	sfence.sel $0xFFFF  }
0xc9: {  	[dreg:$0x0] =	wrdreg $0xFFFFFFFF;
	(pc) =	sbr.abs _section_cstart, $3  }
0xca: {  	[dreg:$0x1] =	wrdreg $0xFFFFFFFF  }
0xcb: {  	_ =	task.clear_ibuf [dreg:s10], $0x2FFFF;
	_ =	strace $0x9FFFFFFF  }
0xcc: {  	(tm) =	ssettm $0x7FFFFFFF  }
0xcd: {  	_ =	shalt  }
tec
execute0_lowered:
.L_overlay_start_1:
0x0: {  	(tag) =	ssettag $0x1  }
0x1: {  	s0 =	rddreg [dreg:$0x0]  }
0x2: {  	s2 =	rddreg [dreg:$0x1]  }
0x3: {  	s1 =	rddreg [dreg:$0x2]  }
0x4: {  	s3 =	srdreg.scid;
	s5 =	rddreg [dreg:$0x3]  }
0x5: {  	s14 =	stileid.u32;
	s6 =	rddreg [dreg:$0x4];
	s18 =	simm.s32 $0x3  }
0x6: {  	s16 =	simm.s32 $0x2000;
	s17 =	simm.s32 $0x2800;
	s28 =	simm.s32 $0x6000  }
0x7: {  	s29 =	simm.s32 $0x6800;
	s30 =	simm.s32 $0x7000;
	s31 =	simm.s32 $0x8000  }
0x8: {  	s19 =	simm.s32 $0x2;
	s3 =	sand.u32 $0x1, s3;
	s4 =	sshll.u32 s14, $0xB  }
0x9: {  	s13 =	sadd.s32 $0x200, s2;
	s15 =	sshll.u32 s14, $0x12;
	s14 =	sadd.s32 $0x300, s2  }
0xa: {  	s7 =	sshll.u32 s3, $0xA;
	s9 =	ssub.s32 $0x2, s3;
	s3 =	sshll.u32 s3, $0x11  }
0xb: {  	s24 =	sadd.s32 s15, s6;
	s8 =	sor.u32 s7, s4;
	s4 =	simm.s32 $0x0  }
0xc: {  	s20 =	sshrl.u32 s9, $0x1;
	s25 =	sadd.s32 s3, s24;
	s24 =	simm.s32 $0x4800  }
0xd: {  	s7 =	sshrl.u32 s8, $0x3;
	[smem:$0x7FF] =	sst s4;
	s10 =	ssub.s32 s9, s20  }
0xe: {  	s22 =	sshll.u32 s8, $0x7;
	s8 =	sadd.s32 $0x200, s0;
	s9 =	sadd.s32 $0x300, s0  }
0xf: {  	s20 =	simm.s32 $0x800;
	s1 =	sadd.s32 s7, s1;
	_ =	strace $0x80000047  }
0x10: {  	s7 =	sadd.s32 $0x100, s0;
	s26 =	smax.u32 s10, $0x1;
	[dreg:$0x7] =	wrdreg s25  }
0x11: {  	s11 =	sor.u32 $0x1E000, s22;
	s21 =	sadd.s32 $0x800, s1;
	[dreg:$0xe] =	wrdreg s26  }
0x12: {  	s25 =	simm.s32 $0x5000;
	s1 =	sadd.s32 $0x1800, s1;
	[dreg:$0x8] =	wrdreg s21  }
0x13: {  	s10 =	simm.s32 $0x8800;
	s12 =	sadd.s32 s5, s11;
	[dreg:$0x9] =	wrdreg s1  }
0x14: {  	s11 =	sadd.s32 s6, s11;
	s26 =	simm.s32 $0x5800;
	[dreg:$0xa] =	wrdreg s12  }
0x15: {  	s1 =	sor.u32 $0x1F000, s22;
	s12 =	sadd.s32 $0x100, s2;
	[dreg:$0xc] =	wrdreg s11  }
0x16: {  	s11 =	simm.s32 $0x1000;
	s21 =	simm.s32 $0x3000;
	s22 =	simm.s32 $0x3800  }
0x17: {  	s23 =	sadd.s32 s5, s1;
	s5 =	sadd.s32 s15, s5;
	s1 =	sadd.s32 s6, s1  }
0x18: {  	v2 =	vlaneseq.u32;
	s15 =	simm.s32 $0x1800;
	s6 =	simm.s32 $0x0;
	[dreg:$0xb] =	wrdreg s23  }
0x19: {  	vm0 =	vmmov $0xffff;
	v1 =	vshrl.u32 v2, $0x3;
	s5 =	sadd.s32 s3, s5;
	[dreg:$0xd] =	wrdreg s1;
	s23 =	simm.s32 $0x4000  }
0x1a: {  	v0 =	vand.u32 $0x7, v2;
	v2 =	vor.u32 $0x8, v2;
	v1 =	vmul.u32 $0x8, v1;
	s3 =	simm.s32 $0x7800;
	s1 =	simm.s32 $0x1;
	[dreg:$0x6] =	wrdreg s5  }
.LBB2_1:
0x1b: {  	[dreg:$0xf] =	wrdreg s6  }
0x1c: {  	s5 =	rddreg [dreg:$0x8]  }
0x1d: {  	[tilespmem:s4], [sflag:$0x3] =	stream.linear.gather [hbm4b:s5+s4], $0x400, $0x38;
	[tilespmem:$0x10800] =	vst v63  }
0x1e: {  	_ =	swait.ge [sflag:s18], $0x400  }
0x1f: {  	[sflag:s18] =	ssyncset.done $0x0  }
0x20: {  	s6 =	simm.s32 $0x400;
	s5 =	rddreg [dreg:$0x9];
	[sflag:s18] =	ssyncadd.s32 $0xFFFFFC00  }
0x21: {  	[tilespmem:s6], [sflag:$0x3] =	stream.linear.gather [hbm4b:s5+s4], $0x400, $0x38;
	[tilespmem:$0x10800] =	vst v63  }
0x22: {  	_ =	swait.ge [sflag:s18], $0x400  }
0x23: {  	[sflag:s18] =	ssyncset.done $0x0  }
0x24: {  	[sflag:s18] =	ssyncadd.s32 $0xFFFFFC00  }
0x25: {  	v3 =	vld [tilespmem:$0x0];
	_ =	sdelay $0x4  }
0x26: {  	v4 =	vshll.u32 v3, $0x3  }
0x27: {  	v3 =	vand.u32 $0x7, v3;
	v4 =	vand.u32 $0xFFFFFFC0, v4  }
0x28: {  	v3 =	vor.u32 v3, v4  }
0x29: {  	v4 =	vperm.xlane v3, v0;
	_ =	sdelay $0x1  }
0x2a: {  	v4 =	vadd.s32 v1, v4;
	_ =	sdelay $0x4  }
0x2b: {  	[tilespmem:s20], [sflag:$0x1] =	stream.indirect_vreg.gather [hbm4b:s0+s4], $0x80, v4, vm0, $0xb8;
	[tilespmem:$0x10800] =	vst v63  }
0x2c: {  	v3 =	vperm.xlane v3, v2  }
0x2d: {  	[tilespmem:s11], [sflag:$0x1] =	stream.indirect_vreg.gather [hbm4b:s7+s4], $0x80, v4, vm0, $0xb8;
	[tilespmem:$0x10800] =	vst v63  }
0x2e: {  	v3 =	vadd.s32 v1, v3  }
0x2f: {  	[tilespmem:s15], [sflag:$0x1] =	stream.indirect_vreg.gather [hbm4b:s8+s4], $0x80, v4, vm0, $0xb8;
	[tilespmem:$0x10800] =	vst v63  }
0x30: {  	_ = 	snop  }
0x31: {  	[tilespmem:s16], [sflag:$0x1] =	stream.indirect_vreg.gather [hbm4b:s9+s4], $0x80, v4, vm0, $0xb8;
	[tilespmem:$0x10800] =	vst v63  }
0x32: {  	_ = 	snop  }
0x33: {  	[tilespmem:s17], [sflag:$0x1] =	stream.indirect_vreg.gather [hbm4b:s0+s4], $0x80, v3, vm0, $0xb8;
	[tilespmem:$0x10800] =	vst v63  }
0x34: {  	_ = 	snop  }
0x35: {  	[tilespmem:s21], [sflag:$0x1] =	stream.indirect_vreg.gather [hbm4b:s7+s4], $0x80, v3, vm0, $0xb8;
	[tilespmem:$0x10800] =	vst v63  }
0x36: {  	_ = 	snop  }
0x37: {  	[tilespmem:s22], [sflag:$0x1] =	stream.indirect_vreg.gather [hbm4b:s8+s4], $0x80, v3, vm0, $0xb8;
	[tilespmem:$0x10800] =	vst v63  }
0x38: {  	_ = 	snop  }
0x39: {  	[tilespmem:s23], [sflag:$0x1] =	stream.indirect_vreg.gather [hbm4b:s9+s4], $0x80, v3, vm0, $0xb8;
	[tilespmem:$0x10800] =	vst v63  }
0x3a: {  	v3 =	vld [tilespmem:$0x10];
	_ =	sdelay $0x4  }
0x3b: {  	v61 =	vshll.u32 v3, $0x3  }
0x3c: {  	v3 =	vand.u32 $0x7, v3;
	v4 =	vand.u32 $0xFFFFFFC0, v61  }
0x3d: {  	v3 =	vor.u32 v3, v4  }
0x3e: {  	v4 =	vperm.xlane v3, v0;
	_ =	sdelay $0x1  }
0x3f: {  	v4 =	vadd.s32 v1, v4;
	_ =	sdelay $0x4  }
0x40: {  	[tilespmem:s24], [sflag:$0x1] =	stream.indirect_vreg.gather [hbm4b:s0+s4], $0x80, v4, vm0, $0xb8;
	[tilespmem:$0x10800] =	vst v63  }
0x41: {  	v3 =	vperm.xlane v3, v2  }
0x42: {  	[tilespmem:s25], [sflag:$0x1] =	stream.indirect_vreg.gather [hbm4b:s7+s4], $0x80, v4, vm0, $0xb8;
	[tilespmem:$0x10800] =	vst v63  }
0x43: {  	v3 =	vadd.s32 v1, v3  }
0x44: {  	[tilespmem:s26], [sflag:$0x1] =	stream.indirect_vreg.gather [hbm4b:s8+s4], $0x80, v4, vm0, $0xb8;
	[tilespmem:$0x10800] =	vst v63  }
0x45: {  	_ = 	snop  }
0x46: {  	[tilespmem:s28], [sflag:$0x1] =	stream.indirect_vreg.gather [hbm4b:s9+s4], $0x80, v4, vm0, $0xb8;
	[tilespmem:$0x10800] =	vst v63  }
0x47: {  	_ = 	snop  }
0x48: {  	[tilespmem:s29], [sflag:$0x1] =	stream.indirect_vreg.gather [hbm4b:s0+s4], $0x80, v3, vm0, $0xb8;
	[tilespmem:$0x10800] =	vst v63  }
0x49: {  	_ = 	snop  }
0x4a: {  	[tilespmem:s30], [sflag:$0x1] =	stream.indirect_vreg.gather [hbm4b:s7+s4], $0x80, v3, vm0, $0xb8;
	[tilespmem:$0x10800] =	vst v63  }
0x4b: {  	_ = 	snop  }
0x4c: {  	[tilespmem:s3], [sflag:$0x1] =	stream.indirect_vreg.gather [hbm4b:s8+s4], $0x80, v3, vm0, $0xb8;
	[tilespmem:$0x10800] =	vst v63  }
0x4d: {  	_ = 	snop  }
0x4e: {  	[tilespmem:s31], [sflag:$0x1] =	stream.indirect_vreg.gather [hbm4b:s9+s4], $0x80, v3, vm0, $0xb8;
	[tilespmem:$0x10800] =	vst v63  }
0x4f: {  	v3 =	vld [tilespmem:$0x20];
	_ =	sdelay $0x4  }
0x50: {  	v62 =	vshll.u32 v3, $0x3  }
0x51: {  	v3 =	vand.u32 $0x7, v3;
	v4 =	vand.u32 $0xFFFFFFC0, v62  }
0x52: {  	v3 =	vor.u32 v3, v4  }
0x53: {  	v4 =	vperm.xlane v3, v0;
	_ =	sdelay $0x1  }
0x54: {  	v4 =	vadd.s32 v1, v4;
	_ =	sdelay $0x4  }
0x55: {  	[tilespmem:s10], [sflag:$0x2] =	stream.indirect_vreg.gather [hbm4b:s0+s4], $0x80, v4, vm0, $0xb8;
	[tilespmem:$0x10800] =	vst v63  }
0x56: {  	s6 =	simm.s32 $0x9000;
	v3 =	vperm.xlane v3, v2  }
0x57: {  	[tilespmem:s6], [sflag:$0x2] =	stream.indirect_vreg.gather [hbm4b:s7+s4], $0x80, v4, vm0, $0xb8;
	[tilespmem:$0x10800] =	vst v63  }
0x58: {  	s16 =	simm.s32 $0x9800;
	v3 =	vadd.s32 v1, v3  }
0x59: {  	[tilespmem:s16], [sflag:$0x2] =	stream.indirect_vreg.gather [hbm4b:s8+s4], $0x80, v4, vm0, $0xb8;
	[tilespmem:$0x10800] =	vst v63  }
0x5a: {  	s21 =	simm.s32 $0xA000  }
0x5b: {  	[tilespmem:s21], [sflag:$0x2] =	stream.indirect_vreg.gather [hbm4b:s9+s4], $0x80, v4, vm0, $0xb8;
	[tilespmem:$0x10800] =	vst v63  }
0x5c: {  	s23 =	simm.s32 $0xA800  }
0x5d: {  	[tilespmem:s23], [sflag:$0x2] =	stream.indirect_vreg.gather [hbm4b:s0+s4], $0x80, v3, vm0, $0xb8;
	[tilespmem:$0x10800] =	vst v63  }
0x5e: {  	s25 =	simm.s32 $0xB000  }
0x5f: {  	[tilespmem:s25], [sflag:$0x2] =	stream.indirect_vreg.gather [hbm4b:s7+s4], $0x80, v3, vm0, $0xb8;
	[tilespmem:$0x10800] =	vst v63  }
0x60: {  	s28 =	simm.s32 $0xB800  }
0x61: {  	[tilespmem:s28], [sflag:$0x2] =	stream.indirect_vreg.gather [hbm4b:s8+s4], $0x80, v3, vm0, $0xb8;
	[tilespmem:$0x10800] =	vst v63  }
0x62: {  	s30 =	simm.s32 $0xC000  }
0x63: {  	[tilespmem:s30], [sflag:$0x2] =	stream.indirect_vreg.gather [hbm4b:s9+s4], $0x80, v3, vm0, $0xb8;
	[tilespmem:$0x10800] =	vst v63  }
0x64: {  	v3 =	vld [tilespmem:$0x30];
	_ =	sdelay $0x4  }
0x65: {  	v63 =	vshll.u32 v3, $0x3  }
0x66: {  	v3 =	vand.u32 $0x7, v3;
	v4 =	vand.u32 $0xFFFFFFC0, v63  }
0x67: {  	v3 =	vor.u32 v3, v4  }
0x68: {  	v4 =	vperm.xlane v3, v0;
	_ =	sdelay $0x1  }
0x69: {  	v4 =	vadd.s32 v1, v4;
	_ =	sdelay $0x3  }
0x6a: {  	s15 =	simm.s32 $0xC800  }
0x6b: {  	[tilespmem:s15], [sflag:$0x2] =	stream.indirect_vreg.gather [hbm4b:s0+s4], $0x80, v4, vm0, $0xb8;
	[tilespmem:$0x10800] =	vst v63  }
0x6c: {  	s17 =	simm.s32 $0xD000;
	v3 =	vperm.xlane v3, v2  }
0x6d: {  	[tilespmem:s17], [sflag:$0x2] =	stream.indirect_vreg.gather [hbm4b:s7+s4], $0x80, v4, vm0, $0xb8;
	[tilespmem:$0x10800] =	vst v63  }
0x6e: {  	s22 =	simm.s32 $0xD800;
	v3 =	vadd.s32 v1, v3  }
0x6f: {  	[tilespmem:s22], [sflag:$0x2] =	stream.indirect_vreg.gather [hbm4b:s8+s4], $0x80, v4, vm0, $0xb8;
	[tilespmem:$0x10800] =	vst v63  }
0x70: {  	s24 =	simm.s32 $0xE000  }
0x71: {  	[tilespmem:s24], [sflag:$0x2] =	stream.indirect_vreg.gather [hbm4b:s9+s4], $0x80, v4, vm0, $0xb8;
	[tilespmem:$0x10800] =	vst v63  }
0x72: {  	s26 =	simm.s32 $0xE800  }
0x73: {  	[tilespmem:s26], [sflag:$0x2] =	stream.indirect_vreg.gather [hbm4b:s0+s4], $0x80, v3, vm0, $0xb8;
	[tilespmem:$0x10800] =	vst v63  }
0x74: {  	s29 =	simm.s32 $0xF000  }
0x75: {  	[tilespmem:s29], [sflag:$0x2] =	stream.indirect_vreg.gather [hbm4b:s7+s4], $0x80, v3, vm0, $0xb8;
	[tilespmem:$0x10800] =	vst v63  }
0x76: {  	s31 =	simm.s32 $0xF800  }
0x77: {  	[tilespmem:s31], [sflag:$0x2] =	stream.indirect_vreg.gather [hbm4b:s8+s4], $0x80, v3, vm0, $0xb8;
	[tilespmem:$0x10800] =	vst v63  }
0x78: {  	s5 =	simm.s32 $0x70;
	s11 =	simm.s32 $0x10000;
	s6 =	simm.s32 $0x0  }
0x79: {  	[tilespmem:s11], [sflag:$0x2] =	stream.indirect_vreg.gather [hbm4b:s9+s4], $0x80, v3, vm0, $0xb8;
	[tilespmem:$0x10800] =	vst v63  }
.LBB2_2:
0x7a: {  	_ =	swait.ge [sflag:s1], $0x8000  }
0x7b: {  	s11 =	rddreg [dreg:$0x6];
	[sflag:s1] =	ssyncset.done $0x0  }
0x7c: {  	[sflag:s1] =	ssyncadd.s32 $0xFFFF8000;
	s11 =	sadd.s32 s6, s11  }
0x7d: {  	[hbm4b:s11+s4] =	stream.linear.scatter [tilespmem:s20], [sflag:$0x3], $0x8000, $0x38;
	[tilespmem:$0x10800] =	vst v63  }
0x7e: {  	_ =	swait.ge [sflag:s18], $0x8000  }
0x7f: {  	[sflag:s18] =	ssyncset.done $0x0  }
0x80: {  	[sflag:s18] =	ssyncadd.s32 $0xFFFF8000  }
0x81: {  	v3 =	vld [tilespmem:s5+$0xFFFFFFD0];
	_ =	sdelay $0x4  }
0x82: {  	v4 =	vshll.u32 v3, $0x3  }
0x83: {  	v3 =	vand.u32 $0x7, v3;
	v4 =	vand.u32 $0xFFFFFFC0, v4  }
0x84: {  	v3 =	vor.u32 v3, v4  }
0x85: {  	v4 =	vperm.xlane v3, v0;
	_ =	sdelay $0x1  }
0x86: {  	v4 =	vadd.s32 v1, v4;
	_ =	sdelay $0x4  }
0x87: {  	[tilespmem:s20], [sflag:$0x1] =	stream.indirect_vreg.gather [hbm4b:s0+s4], $0x80, v4, vm0, $0xb8;
	[tilespmem:$0x10800] =	vst v63  }
0x88: {  	s3 =	simm.s32 $0x1000;
	v3 =	vperm.xlane v3, v2  }
0x89: {  	[tilespmem:s3], [sflag:$0x1] =	stream.indirect_vreg.gather [hbm4b:s7+s4], $0x80, v4, vm0, $0xb8;
	[tilespmem:$0x10800] =	vst v63  }
0x8a: {  	v3 =	vadd.s32 v1, v3;
	s3 =	simm.s32 $0x1800  }
0x8b: {  	[tilespmem:s3], [sflag:$0x1] =	stream.indirect_vreg.gather [hbm4b:s8+s4], $0x80, v4, vm0, $0xb8;
	[tilespmem:$0x10800] =	vst v63  }
0x8c: {  	s3 =	simm.s32 $0x2000  }
0x8d: {  	[tilespmem:s3], [sflag:$0x1] =	stream.indirect_vreg.gather [hbm4b:s9+s4], $0x80, v4, vm0, $0xb8;
	[tilespmem:$0x10800] =	vst v63  }
0x8e: {  	s3 =	simm.s32 $0x2800  }
0x8f: {  	[tilespmem:s3], [sflag:$0x1] =	stream.indirect_vreg.gather [hbm4b:s0+s4], $0x80, v3, vm0, $0xb8;
	[tilespmem:$0x10800] =	vst v63  }
0x90: {  	s3 =	simm.s32 $0x3000  }
0x91: {  	[tilespmem:s3], [sflag:$0x1] =	stream.indirect_vreg.gather [hbm4b:s7+s4], $0x80, v3, vm0, $0xb8;
	[tilespmem:$0x10800] =	vst v63  }
0x92: {  	s3 =	simm.s32 $0x3800  }
0x93: {  	[tilespmem:s3], [sflag:$0x1] =	stream.indirect_vreg.gather [hbm4b:s8+s4], $0x80, v3, vm0, $0xb8;
	[tilespmem:$0x10800] =	vst v63  }
0x94: {  	s3 =	simm.s32 $0x4000  }
0x95: {  	[tilespmem:s3], [sflag:$0x1] =	stream.indirect_vreg.gather [hbm4b:s9+s4], $0x80, v3, vm0, $0xb8;
	[tilespmem:$0x10800] =	vst v63  }
0x96: {  	v3 =	vld [tilespmem:s5+$0xFFFFFFE0];
	_ =	sdelay $0x4  }
0x97: {  	v61 =	vshll.u32 v3, $0x3  }
0x98: {  	v3 =	vand.u32 $0x7, v3;
	v4 =	vand.u32 $0xFFFFFFC0, v61  }
0x99: {  	v3 =	vor.u32 v3, v4  }
0x9a: {  	v4 =	vperm.xlane v3, v0;
	_ =	sdelay $0x1  }
0x9b: {  	v4 =	vadd.s32 v1, v4;
	_ =	sdelay $0x3  }
0x9c: {  	s3 =	simm.s32 $0x4800  }
0x9d: {  	[tilespmem:s3], [sflag:$0x1] =	stream.indirect_vreg.gather [hbm4b:s0+s4], $0x80, v4, vm0, $0xb8;
	[tilespmem:$0x10800] =	vst v63  }
0x9e: {  	v3 =	vperm.xlane v3, v2;
	s3 =	simm.s32 $0x5000  }
0x9f: {  	[tilespmem:s3], [sflag:$0x1] =	stream.indirect_vreg.gather [hbm4b:s7+s4], $0x80, v4, vm0, $0xb8;
	[tilespmem:$0x10800] =	vst v63  }
0xa0: {  	v3 =	vadd.s32 v1, v3;
	s3 =	simm.s32 $0x5800  }
0xa1: {  	[tilespmem:s3], [sflag:$0x1] =	stream.indirect_vreg.gather [hbm4b:s8+s4], $0x80, v4, vm0, $0xb8;
	[tilespmem:$0x10800] =	vst v63  }
0xa2: {  	s3 =	simm.s32 $0x6000  }
0xa3: {  	[tilespmem:s3], [sflag:$0x1] =	stream.indirect_vreg.gather [hbm4b:s9+s4], $0x80, v4, vm0, $0xb8;
	[tilespmem:$0x10800] =	vst v63  }
0xa4: {  	s3 =	simm.s32 $0x6800  }
0xa5: {  	[tilespmem:s3], [sflag:$0x1] =	stream.indirect_vreg.gather [hbm4b:s0+s4], $0x80, v3, vm0, $0xb8;
	[tilespmem:$0x10800] =	vst v63  }
0xa6: {  	s3 =	simm.s32 $0x7000  }
0xa7: {  	[tilespmem:s3], [sflag:$0x1] =	stream.indirect_vreg.gather [hbm4b:s7+s4], $0x80, v3, vm0, $0xb8;
	[tilespmem:$0x10800] =	vst v63  }
0xa8: {  	s3 =	simm.s32 $0x7800  }
0xa9: {  	[tilespmem:s3], [sflag:$0x1] =	stream.indirect_vreg.gather [hbm4b:s8+s4], $0x80, v3, vm0, $0xb8;
	[tilespmem:$0x10800] =	vst v63  }
0xaa: {  	s3 =	simm.s32 $0x8000  }
0xab: {  	[tilespmem:s3], [sflag:$0x1] =	stream.indirect_vreg.gather [hbm4b:s9+s4], $0x80, v3, vm0, $0xb8;
	[tilespmem:$0x10800] =	vst v63  }
0xac: {  	_ =	swait.ge [sflag:s19], $0x8000  }
0xad: {  	[sflag:s19] =	ssyncset.done $0x0  }
0xae: {  	s11 =	sadd.s32 $0x1000, s11;
	[sflag:s19] =	ssyncadd.s32 $0xFFFF8000  }
0xaf: {  	[hbm4b:s11+s4] =	stream.linear.scatter [tilespmem:s10], [sflag:$0x3], $0x8000, $0x38;
	[tilespmem:$0x10800] =	vst v63  }
0xb0: {  	_ =	swait.ge [sflag:s18], $0x8000  }
0xb1: {  	[sflag:s18] =	ssyncset.done $0x0  }
0xb2: {  	[sflag:s18] =	ssyncadd.s32 $0xFFFF8000  }
0xb3: {  	v3 =	vld [tilespmem:s5+$0xFFFFFFF0];
	_ =	sdelay $0x4  }
0xb4: {  	v62 =	vshll.u32 v3, $0x3  }
0xb5: {  	v3 =	vand.u32 $0x7, v3;
	v4 =	vand.u32 $0xFFFFFFC0, v62  }
0xb6: {  	v3 =	vor.u32 v3, v4  }
0xb7: {  	v4 =	vperm.xlane v3, v0;
	_ =	sdelay $0x1  }
0xb8: {  	v4 =	vadd.s32 v1, v4;
	_ =	sdelay $0x4  }
0xb9: {  	[tilespmem:s10], [sflag:$0x2] =	stream.indirect_vreg.gather [hbm4b:s0+s4], $0x80, v4, vm0, $0xb8;
	[tilespmem:$0x10800] =	vst v63  }
0xba: {  	s11 =	simm.s32 $0x9000;
	v3 =	vperm.xlane v3, v2  }
0xbb: {  	[tilespmem:s11], [sflag:$0x2] =	stream.indirect_vreg.gather [hbm4b:s7+s4], $0x80, v4, vm0, $0xb8;
	[tilespmem:$0x10800] =	vst v63  }
0xbc: {  	v3 =	vadd.s32 v1, v3  }
0xbd: {  	[tilespmem:s16], [sflag:$0x2] =	stream.indirect_vreg.gather [hbm4b:s8+s4], $0x80, v4, vm0, $0xb8;
	[tilespmem:$0x10800] =	vst v63  }
0xbe: {  	_ = 	snop  }
0xbf: {  	[tilespmem:s21], [sflag:$0x2] =	stream.indirect_vreg.gather [hbm4b:s9+s4], $0x80, v4, vm0, $0xb8;
	[tilespmem:$0x10800] =	vst v63  }
0xc0: {  	_ = 	snop  }
0xc1: {  	[tilespmem:s23], [sflag:$0x2] =	stream.indirect_vreg.gather [hbm4b:s0+s4], $0x80, v3, vm0, $0xb8;
	[tilespmem:$0x10800] =	vst v63  }
0xc2: {  	_ = 	snop  }
0xc3: {  	[tilespmem:s25], [sflag:$0x2] =	stream.indirect_vreg.gather [hbm4b:s7+s4], $0x80, v3, vm0, $0xb8;
	[tilespmem:$0x10800] =	vst v63  }
0xc4: {  	_ = 	snop  }
0xc5: {  	[tilespmem:s28], [sflag:$0x2] =	stream.indirect_vreg.gather [hbm4b:s8+s4], $0x80, v3, vm0, $0xb8;
	[tilespmem:$0x10800] =	vst v63  }
0xc6: {  	_ = 	snop  }
0xc7: {  	[tilespmem:s30], [sflag:$0x2] =	stream.indirect_vreg.gather [hbm4b:s9+s4], $0x80, v3, vm0, $0xb8;
	[tilespmem:$0x10800] =	vst v63  }
0xc8: {  	v3 =	vld [tilespmem:s5+$0x0];
	_ =	sdelay $0x4  }
0xc9: {  	v63 =	vshll.u32 v3, $0x3  }
0xca: {  	v3 =	vand.u32 $0x7, v3;
	v4 =	vand.u32 $0xFFFFFFC0, v63  }
0xcb: {  	v3 =	vor.u32 v3, v4  }
0xcc: {  	v4 =	vperm.xlane v3, v0;
	_ =	sdelay $0x1  }
0xcd: {  	v4 =	vadd.s32 v1, v4;
	_ =	sdelay $0x4  }
0xce: {  	[tilespmem:s15], [sflag:$0x2] =	stream.indirect_vreg.gather [hbm4b:s0+s4], $0x80, v4, vm0, $0xb8;
	[tilespmem:$0x10800] =	vst v63  }
0xcf: {  	v3 =	vperm.xlane v3, v2  }
0xd0: {  	[tilespmem:s17], [sflag:$0x2] =	stream.indirect_vreg.gather [hbm4b:s7+s4], $0x80, v4, vm0, $0xb8;
	[tilespmem:$0x10800] =	vst v63  }
0xd1: {  	v3 =	vadd.s32 v1, v3  }
0xd2: {  	[tilespmem:s22], [sflag:$0x2] =	stream.indirect_vreg.gather [hbm4b:s8+s4], $0x80, v4, vm0, $0xb8;
	[tilespmem:$0x10800] =	vst v63  }
0xd3: {  	_ = 	snop  }
0xd4: {  	[tilespmem:s24], [sflag:$0x2] =	stream.indirect_vreg.gather [hbm4b:s9+s4], $0x80, v4, vm0, $0xb8;
	[tilespmem:$0x10800] =	vst v63  }
0xd5: {  	_ = 	snop  }
0xd6: {  	[tilespmem:s26], [sflag:$0x2] =	stream.indirect_vreg.gather [hbm4b:s0+s4], $0x80, v3, vm0, $0xb8;
	[tilespmem:$0x10800] =	vst v63  }
0xd7: {  	p0 =	sne.s32 s6, $0x1C000  }
0xd8: {  	[tilespmem:s29], [sflag:$0x2] =	stream.indirect_vreg.gather [hbm4b:s7+s4], $0x80, v3, vm0, $0xb8;
	[tilespmem:$0x10800] =	vst v63  }
.Ltmp0:
0xd9: {  	_ = 	snop;
	(pc) =	sbr.rel @p0 .LBB2_2-.Ltmp0, $4  }
0xda: {  	_ = 	snop  }
0xdb: {  	[tilespmem:s31], [sflag:$0x2] =	stream.indirect_vreg.gather [hbm4b:s8+s4], $0x80, v3, vm0, $0xb8;
	[tilespmem:$0x10800] =	vst v63  }
0xdc: {  	s6 =	sadd.s32 $0x2000, s6;
	s3 =	simm.s32 $0x10000;
	s5 =	sadd.s32 $0x40, s5  }
0xdd: {  	[tilespmem:s3], [sflag:$0x2] =	stream.indirect_vreg.gather [hbm4b:s9+s4], $0x80, v3, vm0, $0xb8;
	[tilespmem:$0x10800] =	vst v63  }
0xde: {  	_ =	swait.ge [sflag:s1], $0x8000  }
0xdf: {  	[sflag:s1] =	ssyncset.done $0x0  }
0xe0: {  	s5 =	simm.s32 $0x0;
	s6 =	rddreg [dreg:$0xa];
	[sflag:s1] =	ssyncadd.s32 $0xFFFF8000  }
0xe1: {  	[hbm4b:s6+s5] =	stream.linear.scatter [tilespmem:s20], [sflag:$0x3], $0x8000, $0x38;
	[tilespmem:$0x10800] =	vst v63  }
0xe2: {  	_ =	swait.ge [sflag:s18], $0x8000  }
0xe3: {  	[sflag:s18] =	ssyncset.done $0x0  }
0xe4: {  	[sflag:s18] =	ssyncadd.s32 $0xFFFF8000  }
0xe5: {  	_ =	swait.ge [sflag:s19], $0x8000  }
0xe6: {  	[sflag:s19] =	ssyncset.done $0x0  }
0xe7: {  	s3 =	rddreg [dreg:$0xb];
	[sflag:s19] =	ssyncadd.s32 $0xFFFF8000  }
0xe8: {  	[hbm4b:s3+s5] =	stream.linear.scatter [tilespmem:s10], [sflag:$0x3], $0x8000, $0x38;
	[tilespmem:$0x10800] =	vst v63  }
0xe9: {  	_ =	swait.ge [sflag:s18], $0x8000  }
0xea: {  	[sflag:s18] =	ssyncset.done $0x0  }
0xeb: {  	[sflag:s18] =	ssyncadd.s32 $0xFFFF8000  }
0xec: {  	v3 =	vld [tilespmem:$0x400];
	_ =	sdelay $0x4  }
0xed: {  	v4 =	vshll.u32 v3, $0x3  }
0xee: {  	v3 =	vand.u32 $0x7, v3;
	v4 =	vand.u32 $0xFFFFFFC0, v4  }
0xef: {  	v3 =	vor.u32 v3, v4  }
0xf0: {  	v4 =	vperm.xlane v3, v0;
	_ =	sdelay $0x1  }
0xf1: {  	v4 =	vadd.s32 v1, v4;
	_ =	sdelay $0x4  }
0xf2: {  	[tilespmem:s20], [sflag:$0x1] =	stream.indirect_vreg.gather [hbm4b:s2+s5], $0x80, v4, vm0, $0xb8;
	[tilespmem:$0x10800] =	vst v63  }
0xf3: {  	s3 =	simm.s32 $0x1000;
	v3 =	vperm.xlane v3, v2  }
0xf4: {  	[tilespmem:s3], [sflag:$0x1] =	stream.indirect_vreg.gather [hbm4b:s12+s5], $0x80, v4, vm0, $0xb8;
	[tilespmem:$0x10800] =	vst v63  }
0xf5: {  	s6 =	simm.s32 $0x1800;
	v3 =	vadd.s32 v1, v3  }
0xf6: {  	[tilespmem:s6], [sflag:$0x1] =	stream.indirect_vreg.gather [hbm4b:s13+s5], $0x80, v4, vm0, $0xb8;
	[tilespmem:$0x10800] =	vst v63  }
0xf7: {  	s6 =	simm.s32 $0x2000  }
0xf8: {  	[tilespmem:s6], [sflag:$0x1] =	stream.indirect_vreg.gather [hbm4b:s14+s5], $0x80, v4, vm0, $0xb8;
	[tilespmem:$0x10800] =	vst v63  }
0xf9: {  	s6 =	simm.s32 $0x2800  }
0xfa: {  	[tilespmem:s6], [sflag:$0x1] =	stream.indirect_vreg.gather [hbm4b:s2+s5], $0x80, v3, vm0, $0xb8;
	[tilespmem:$0x10800] =	vst v63  }
0xfb: {  	s6 =	simm.s32 $0x3000  }
0xfc: {  	[tilespmem:s6], [sflag:$0x1] =	stream.indirect_vreg.gather [hbm4b:s12+s5], $0x80, v3, vm0, $0xb8;
	[tilespmem:$0x10800] =	vst v63  }
0xfd: {  	s6 =	simm.s32 $0x3800  }
0xfe: {  	[tilespmem:s6], [sflag:$0x1] =	stream.indirect_vreg.gather [hbm4b:s13+s5], $0x80, v3, vm0, $0xb8;
	[tilespmem:$0x10800] =	vst v63  }
0xff: {  	s6 =	simm.s32 $0x4000  }
0x100: {  	[tilespmem:s6], [sflag:$0x1] =	stream.indirect_vreg.gather [hbm4b:s14+s5], $0x80, v3, vm0, $0xb8;
	[tilespmem:$0x10800] =	vst v63  }
0x101: {  	v3 =	vld [tilespmem:$0x410];
	_ =	sdelay $0x4  }
0x102: {  	v61 =	vshll.u32 v3, $0x3  }
0x103: {  	v3 =	vand.u32 $0x7, v3;
	v4 =	vand.u32 $0xFFFFFFC0, v61  }
0x104: {  	v3 =	vor.u32 v3, v4  }
0x105: {  	v4 =	vperm.xlane v3, v0;
	_ =	sdelay $0x1  }
0x106: {  	v4 =	vadd.s32 v1, v4;
	_ =	sdelay $0x3  }
0x107: {  	s6 =	simm.s32 $0x4800  }
0x108: {  	[tilespmem:s6], [sflag:$0x1] =	stream.indirect_vreg.gather [hbm4b:s2+s5], $0x80, v4, vm0, $0xb8;
	[tilespmem:$0x10800] =	vst v63  }
0x109: {  	v3 =	vperm.xlane v3, v2;
	s6 =	simm.s32 $0x5000  }
0x10a: {  	[tilespmem:s6], [sflag:$0x1] =	stream.indirect_vreg.gather [hbm4b:s12+s5], $0x80, v4, vm0, $0xb8;
	[tilespmem:$0x10800] =	vst v63  }
0x10b: {  	v3 =	vadd.s32 v1, v3;
	s6 =	simm.s32 $0x5800  }
0x10c: {  	[tilespmem:s6], [sflag:$0x1] =	stream.indirect_vreg.gather [hbm4b:s13+s5], $0x80, v4, vm0, $0xb8;
	[tilespmem:$0x10800] =	vst v63  }
0x10d: {  	s6 =	simm.s32 $0x6000  }
0x10e: {  	[tilespmem:s6], [sflag:$0x1] =	stream.indirect_vreg.gather [hbm4b:s14+s5], $0x80, v4, vm0, $0xb8;
	[tilespmem:$0x10800] =	vst v63  }
0x10f: {  	s6 =	simm.s32 $0x6800  }
0x110: {  	[tilespmem:s6], [sflag:$0x1] =	stream.indirect_vreg.gather [hbm4b:s2+s5], $0x80, v3, vm0, $0xb8;
	[tilespmem:$0x10800] =	vst v63  }
0x111: {  	s6 =	simm.s32 $0x7000  }
0x112: {  	[tilespmem:s6], [sflag:$0x1] =	stream.indirect_vreg.gather [hbm4b:s12+s5], $0x80, v3, vm0, $0xb8;
	[tilespmem:$0x10800] =	vst v63  }
0x113: {  	s6 =	simm.s32 $0x7800  }
0x114: {  	[tilespmem:s6], [sflag:$0x1] =	stream.indirect_vreg.gather [hbm4b:s13+s5], $0x80, v3, vm0, $0xb8;
	[tilespmem:$0x10800] =	vst v63  }
0x115: {  	s6 =	simm.s32 $0x8000  }
0x116: {  	[tilespmem:s6], [sflag:$0x1] =	stream.indirect_vreg.gather [hbm4b:s14+s5], $0x80, v3, vm0, $0xb8;
	[tilespmem:$0x10800] =	vst v63  }
0x117: {  	v3 =	vld [tilespmem:$0x420];
	_ =	sdelay $0x4  }
0x118: {  	v62 =	vshll.u32 v3, $0x3  }
0x119: {  	v3 =	vand.u32 $0x7, v3;
	v4 =	vand.u32 $0xFFFFFFC0, v62  }
0x11a: {  	v3 =	vor.u32 v3, v4  }
0x11b: {  	v4 =	vperm.xlane v3, v0;
	_ =	sdelay $0x1  }
0x11c: {  	v4 =	vadd.s32 v1, v4;
	_ =	sdelay $0x4  }
0x11d: {  	[tilespmem:s10], [sflag:$0x2] =	stream.indirect_vreg.gather [hbm4b:s2+s5], $0x80, v4, vm0, $0xb8;
	[tilespmem:$0x10800] =	vst v63  }
0x11e: {  	v3 =	vperm.xlane v3, v2  }
0x11f: {  	[tilespmem:s11], [sflag:$0x2] =	stream.indirect_vreg.gather [hbm4b:s12+s5], $0x80, v4, vm0, $0xb8;
	[tilespmem:$0x10800] =	vst v63  }
0x120: {  	v3 =	vadd.s32 v1, v3  }
0x121: {  	[tilespmem:s16], [sflag:$0x2] =	stream.indirect_vreg.gather [hbm4b:s13+s5], $0x80, v4, vm0, $0xb8;
	[tilespmem:$0x10800] =	vst v63  }
0x122: {  	_ = 	snop  }
0x123: {  	[tilespmem:s21], [sflag:$0x2] =	stream.indirect_vreg.gather [hbm4b:s14+s5], $0x80, v4, vm0, $0xb8;
	[tilespmem:$0x10800] =	vst v63  }
0x124: {  	_ = 	snop  }
0x125: {  	[tilespmem:s23], [sflag:$0x2] =	stream.indirect_vreg.gather [hbm4b:s2+s5], $0x80, v3, vm0, $0xb8;
	[tilespmem:$0x10800] =	vst v63  }
0x126: {  	_ = 	snop  }
0x127: {  	[tilespmem:s25], [sflag:$0x2] =	stream.indirect_vreg.gather [hbm4b:s12+s5], $0x80, v3, vm0, $0xb8;
	[tilespmem:$0x10800] =	vst v63  }
0x128: {  	_ = 	snop  }
0x129: {  	[tilespmem:s28], [sflag:$0x2] =	stream.indirect_vreg.gather [hbm4b:s13+s5], $0x80, v3, vm0, $0xb8;
	[tilespmem:$0x10800] =	vst v63  }
0x12a: {  	_ = 	snop  }
0x12b: {  	[tilespmem:s30], [sflag:$0x2] =	stream.indirect_vreg.gather [hbm4b:s14+s5], $0x80, v3, vm0, $0xb8;
	[tilespmem:$0x10800] =	vst v63  }
0x12c: {  	v3 =	vld [tilespmem:$0x430];
	_ =	sdelay $0x4  }
0x12d: {  	v63 =	vshll.u32 v3, $0x3  }
0x12e: {  	v3 =	vand.u32 $0x7, v3;
	v4 =	vand.u32 $0xFFFFFFC0, v63  }
0x12f: {  	v3 =	vor.u32 v3, v4  }
0x130: {  	v4 =	vperm.xlane v3, v0;
	_ =	sdelay $0x1  }
0x131: {  	v4 =	vadd.s32 v1, v4;
	_ =	sdelay $0x4  }
0x132: {  	[tilespmem:s15], [sflag:$0x2] =	stream.indirect_vreg.gather [hbm4b:s2+s5], $0x80, v4, vm0, $0xb8;
	[tilespmem:$0x10800] =	vst v63  }
0x133: {  	v3 =	vperm.xlane v3, v2  }
0x134: {  	[tilespmem:s17], [sflag:$0x2] =	stream.indirect_vreg.gather [hbm4b:s12+s5], $0x80, v4, vm0, $0xb8;
	[tilespmem:$0x10800] =	vst v63  }
0x135: {  	v3 =	vadd.s32 v1, v3  }
0x136: {  	[tilespmem:s22], [sflag:$0x2] =	stream.indirect_vreg.gather [hbm4b:s13+s5], $0x80, v4, vm0, $0xb8;
	[tilespmem:$0x10800] =	vst v63  }
0x137: {  	_ = 	snop  }
0x138: {  	[tilespmem:s24], [sflag:$0x2] =	stream.indirect_vreg.gather [hbm4b:s14+s5], $0x80, v4, vm0, $0xb8;
	[tilespmem:$0x10800] =	vst v63  }
0x139: {  	s3 =	simm.s32 $0x10000;
	s6 =	simm.s32 $0x470;
	s16 =	simm.s32 $0x9000  }
0x13a: {  	[tilespmem:s26], [sflag:$0x2] =	stream.indirect_vreg.gather [hbm4b:s2+s5], $0x80, v3, vm0, $0xb8;
	[tilespmem:$0x10800] =	vst v63  }
0x13b: {  	s21 =	simm.s32 $0x9800;
	s23 =	simm.s32 $0xA000;
	s25 =	simm.s32 $0xA800  }
0x13c: {  	[tilespmem:s29], [sflag:$0x2] =	stream.indirect_vreg.gather [hbm4b:s12+s5], $0x80, v3, vm0, $0xb8;
	[tilespmem:$0x10800] =	vst v63  }
0x13d: {  	s28 =	simm.s32 $0xB000;
	s30 =	simm.s32 $0xB800;
	s15 =	simm.s32 $0xC000  }
0x13e: {  	[tilespmem:s31], [sflag:$0x2] =	stream.indirect_vreg.gather [hbm4b:s13+s5], $0x80, v3, vm0, $0xb8;
	[tilespmem:$0x10800] =	vst v63  }
0x13f: {  	s22 =	simm.s32 $0xD000;
	s24 =	simm.s32 $0xD800;
	s26 =	simm.s32 $0x10000  }
0x140: {  	[tilespmem:s26], [sflag:$0x2] =	stream.indirect_vreg.gather [hbm4b:s14+s5], $0x80, v3, vm0, $0xb8;
	[tilespmem:$0x10800] =	vst v63  }
0x141: {  	s29 =	simm.s32 $0xE800;
	s31 =	simm.s32 $0xF000;
	s26 =	simm.s32 $0xE000  }
.LBB2_4:
0x142: {  	_ =	swait.ge [sflag:s1], $0x8000  }
0x143: {  	s11 =	rddreg [dreg:$0x7];
	[sflag:s1] =	ssyncset.done $0x0  }
0x144: {  	[sflag:s1] =	ssyncadd.s32 $0xFFFF8000;
	s11 =	sadd.s32 s5, s11  }
0x145: {  	[hbm4b:s11+s4] =	stream.linear.scatter [tilespmem:s20], [sflag:$0x3], $0x8000, $0x38;
	[tilespmem:$0x10800] =	vst v63  }
0x146: {  	_ =	swait.ge [sflag:s18], $0x8000  }
0x147: {  	[sflag:s18] =	ssyncset.done $0x0  }
0x148: {  	[sflag:s18] =	ssyncadd.s32 $0xFFFF8000  }
0x149: {  	v3 =	vld [tilespmem:s6+$0xFFFFFFD0];
	_ =	sdelay $0x4  }
0x14a: {  	v4 =	vshll.u32 v3, $0x3  }
0x14b: {  	v3 =	vand.u32 $0x7, v3;
	v4 =	vand.u32 $0xFFFFFFC0, v4  }
0x14c: {  	v3 =	vor.u32 v3, v4  }
0x14d: {  	v4 =	vperm.xlane v3, v0;
	_ =	sdelay $0x1  }
0x14e: {  	v4 =	vadd.s32 v1, v4;
	_ =	sdelay $0x4  }
0x14f: {  	[tilespmem:s20], [sflag:$0x1] =	stream.indirect_vreg.gather [hbm4b:s2+s4], $0x80, v4, vm0, $0xb8;
	[tilespmem:$0x10800] =	vst v63  }
0x150: {  	s17 =	simm.s32 $0x1000;
	v3 =	vperm.xlane v3, v2  }
0x151: {  	[tilespmem:s17], [sflag:$0x1] =	stream.indirect_vreg.gather [hbm4b:s12+s4], $0x80, v4, vm0, $0xb8;
	[tilespmem:$0x10800] =	vst v63  }
0x152: {  	v3 =	vadd.s32 v1, v3;
	s17 =	simm.s32 $0x1800  }
0x153: {  	[tilespmem:s17], [sflag:$0x1] =	stream.indirect_vreg.gather [hbm4b:s13+s4], $0x80, v4, vm0, $0xb8;
	[tilespmem:$0x10800] =	vst v63  }
0x154: {  	s17 =	simm.s32 $0x2000  }
0x155: {  	[tilespmem:s17], [sflag:$0x1] =	stream.indirect_vreg.gather [hbm4b:s14+s4], $0x80, v4, vm0, $0xb8;
	[tilespmem:$0x10800] =	vst v63  }
0x156: {  	s17 =	simm.s32 $0x2800  }
0x157: {  	[tilespmem:s17], [sflag:$0x1] =	stream.indirect_vreg.gather [hbm4b:s2+s4], $0x80, v3, vm0, $0xb8;
	[tilespmem:$0x10800] =	vst v63  }
0x158: {  	s17 =	simm.s32 $0x3000  }
0x159: {  	[tilespmem:s17], [sflag:$0x1] =	stream.indirect_vreg.gather [hbm4b:s12+s4], $0x80, v3, vm0, $0xb8;
	[tilespmem:$0x10800] =	vst v63  }
0x15a: {  	s17 =	simm.s32 $0x3800  }
0x15b: {  	[tilespmem:s17], [sflag:$0x1] =	stream.indirect_vreg.gather [hbm4b:s13+s4], $0x80, v3, vm0, $0xb8;
	[tilespmem:$0x10800] =	vst v63  }
0x15c: {  	s17 =	simm.s32 $0x4000  }
0x15d: {  	[tilespmem:s17], [sflag:$0x1] =	stream.indirect_vreg.gather [hbm4b:s14+s4], $0x80, v3, vm0, $0xb8;
	[tilespmem:$0x10800] =	vst v63  }
0x15e: {  	v3 =	vld [tilespmem:s6+$0xFFFFFFE0];
	_ =	sdelay $0x4  }
0x15f: {  	v61 =	vshll.u32 v3, $0x3  }
0x160: {  	v3 =	vand.u32 $0x7, v3;
	v4 =	vand.u32 $0xFFFFFFC0, v61  }
0x161: {  	v3 =	vor.u32 v3, v4  }
0x162: {  	v4 =	vperm.xlane v3, v0;
	_ =	sdelay $0x1  }
0x163: {  	v4 =	vadd.s32 v1, v4;
	_ =	sdelay $0x3  }
0x164: {  	s17 =	simm.s32 $0x4800  }
0x165: {  	[tilespmem:s17], [sflag:$0x1] =	stream.indirect_vreg.gather [hbm4b:s2+s4], $0x80, v4, vm0, $0xb8;
	[tilespmem:$0x10800] =	vst v63  }
0x166: {  	v3 =	vperm.xlane v3, v2;
	s17 =	simm.s32 $0x5000  }
0x167: {  	[tilespmem:s17], [sflag:$0x1] =	stream.indirect_vreg.gather [hbm4b:s12+s4], $0x80, v4, vm0, $0xb8;
	[tilespmem:$0x10800] =	vst v63  }
0x168: {  	v3 =	vadd.s32 v1, v3;
	s17 =	simm.s32 $0x5800  }
0x169: {  	[tilespmem:s17], [sflag:$0x1] =	stream.indirect_vreg.gather [hbm4b:s13+s4], $0x80, v4, vm0, $0xb8;
	[tilespmem:$0x10800] =	vst v63  }
0x16a: {  	s17 =	simm.s32 $0x6000  }
0x16b: {  	[tilespmem:s17], [sflag:$0x1] =	stream.indirect_vreg.gather [hbm4b:s14+s4], $0x80, v4, vm0, $0xb8;
	[tilespmem:$0x10800] =	vst v63  }
0x16c: {  	s17 =	simm.s32 $0x6800  }
0x16d: {  	[tilespmem:s17], [sflag:$0x1] =	stream.indirect_vreg.gather [hbm4b:s2+s4], $0x80, v3, vm0, $0xb8;
	[tilespmem:$0x10800] =	vst v63  }
0x16e: {  	s17 =	simm.s32 $0x7000  }
0x16f: {  	[tilespmem:s17], [sflag:$0x1] =	stream.indirect_vreg.gather [hbm4b:s12+s4], $0x80, v3, vm0, $0xb8;
	[tilespmem:$0x10800] =	vst v63  }
0x170: {  	s17 =	simm.s32 $0x7800  }
0x171: {  	[tilespmem:s17], [sflag:$0x1] =	stream.indirect_vreg.gather [hbm4b:s13+s4], $0x80, v3, vm0, $0xb8;
	[tilespmem:$0x10800] =	vst v63  }
0x172: {  	s17 =	simm.s32 $0x8000  }
0x173: {  	[tilespmem:s17], [sflag:$0x1] =	stream.indirect_vreg.gather [hbm4b:s14+s4], $0x80, v3, vm0, $0xb8;
	[tilespmem:$0x10800] =	vst v63  }
0x174: {  	_ =	swait.ge [sflag:s19], $0x8000  }
0x175: {  	[sflag:s19] =	ssyncset.done $0x0  }
0x176: {  	s11 =	sadd.s32 $0x1000, s11;
	[sflag:s19] =	ssyncadd.s32 $0xFFFF8000  }
0x177: {  	[hbm4b:s11+s4] =	stream.linear.scatter [tilespmem:s10], [sflag:$0x3], $0x8000, $0x38;
	[tilespmem:$0x10800] =	vst v63  }
0x178: {  	_ =	swait.ge [sflag:s18], $0x8000  }
0x179: {  	[sflag:s18] =	ssyncset.done $0x0  }
0x17a: {  	[sflag:s18] =	ssyncadd.s32 $0xFFFF8000  }
0x17b: {  	v3 =	vld [tilespmem:s6+$0xFFFFFFF0];
	_ =	sdelay $0x4  }
0x17c: {  	v62 =	vshll.u32 v3, $0x3  }
0x17d: {  	v3 =	vand.u32 $0x7, v3;
	v4 =	vand.u32 $0xFFFFFFC0, v62  }
0x17e: {  	v3 =	vor.u32 v3, v4  }
0x17f: {  	v4 =	vperm.xlane v3, v0;
	_ =	sdelay $0x1  }
0x180: {  	v4 =	vadd.s32 v1, v4;
	_ =	sdelay $0x4  }
0x181: {  	[tilespmem:s10], [sflag:$0x2] =	stream.indirect_vreg.gather [hbm4b:s2+s4], $0x80, v4, vm0, $0xb8;
	[tilespmem:$0x10800] =	vst v63  }
0x182: {  	v3 =	vperm.xlane v3, v2  }
0x183: {  	[tilespmem:s16], [sflag:$0x2] =	stream.indirect_vreg.gather [hbm4b:s12+s4], $0x80, v4, vm0, $0xb8;
	[tilespmem:$0x10800] =	vst v63  }
0x184: {  	v3 =	vadd.s32 v1, v3  }
0x185: {  	[tilespmem:s21], [sflag:$0x2] =	stream.indirect_vreg.gather [hbm4b:s13+s4], $0x80, v4, vm0, $0xb8;
	[tilespmem:$0x10800] =	vst v63  }
0x186: {  	_ = 	snop  }
0x187: {  	[tilespmem:s23], [sflag:$0x2] =	stream.indirect_vreg.gather [hbm4b:s14+s4], $0x80, v4, vm0, $0xb8;
	[tilespmem:$0x10800] =	vst v63  }
0x188: {  	_ = 	snop  }
0x189: {  	[tilespmem:s25], [sflag:$0x2] =	stream.indirect_vreg.gather [hbm4b:s2+s4], $0x80, v3, vm0, $0xb8;
	[tilespmem:$0x10800] =	vst v63  }
0x18a: {  	_ = 	snop  }
0x18b: {  	[tilespmem:s28], [sflag:$0x2] =	stream.indirect_vreg.gather [hbm4b:s12+s4], $0x80, v3, vm0, $0xb8;
	[tilespmem:$0x10800] =	vst v63  }
0x18c: {  	_ = 	snop  }
0x18d: {  	[tilespmem:s30], [sflag:$0x2] =	stream.indirect_vreg.gather [hbm4b:s13+s4], $0x80, v3, vm0, $0xb8;
	[tilespmem:$0x10800] =	vst v63  }
0x18e: {  	_ = 	snop  }
0x18f: {  	[tilespmem:s15], [sflag:$0x2] =	stream.indirect_vreg.gather [hbm4b:s14+s4], $0x80, v3, vm0, $0xb8;
	[tilespmem:$0x10800] =	vst v63  }
0x190: {  	v3 =	vld [tilespmem:s6+$0x0];
	_ =	sdelay $0x4  }
0x191: {  	v63 =	vshll.u32 v3, $0x3  }
0x192: {  	v3 =	vand.u32 $0x7, v3;
	v4 =	vand.u32 $0xFFFFFFC0, v63  }
0x193: {  	v3 =	vor.u32 v3, v4  }
0x194: {  	v4 =	vperm.xlane v3, v0;
	_ =	sdelay $0x1  }
0x195: {  	v4 =	vadd.s32 v1, v4;
	_ =	sdelay $0x3  }
0x196: {  	s17 =	simm.s32 $0xC800  }
0x197: {  	[tilespmem:s17], [sflag:$0x2] =	stream.indirect_vreg.gather [hbm4b:s2+s4], $0x80, v4, vm0, $0xb8;
	[tilespmem:$0x10800] =	vst v63  }
0x198: {  	v3 =	vperm.xlane v3, v2  }
0x199: {  	[tilespmem:s22], [sflag:$0x2] =	stream.indirect_vreg.gather [hbm4b:s12+s4], $0x80, v4, vm0, $0xb8;
	[tilespmem:$0x10800] =	vst v63  }
0x19a: {  	v3 =	vadd.s32 v1, v3  }
0x19b: {  	[tilespmem:s24], [sflag:$0x2] =	stream.indirect_vreg.gather [hbm4b:s13+s4], $0x80, v4, vm0, $0xb8;
	[tilespmem:$0x10800] =	vst v63  }
0x19c: {  	_ = 	snop  }
0x19d: {  	[tilespmem:s26], [sflag:$0x2] =	stream.indirect_vreg.gather [hbm4b:s14+s4], $0x80, v4, vm0, $0xb8;
	[tilespmem:$0x10800] =	vst v63  }
0x19e: {  	_ = 	snop  }
0x19f: {  	[tilespmem:s29], [sflag:$0x2] =	stream.indirect_vreg.gather [hbm4b:s2+s4], $0x80, v3, vm0, $0xb8;
	[tilespmem:$0x10800] =	vst v63  }
0x1a0: {  	p0 =	sne.s32 s5, $0x1C000  }
0x1a1: {  	[tilespmem:s31], [sflag:$0x2] =	stream.indirect_vreg.gather [hbm4b:s12+s4], $0x80, v3, vm0, $0xb8;
	[tilespmem:$0x10800] =	vst v63  }
.Ltmp1:
0x1a2: {  	_ = 	snop;
	(pc) =	sbr.rel @p0 .LBB2_4-.Ltmp1, $4  }
0x1a3: {  	s17 =	simm.s32 $0xF800  }
0x1a4: {  	[tilespmem:s17], [sflag:$0x2] =	stream.indirect_vreg.gather [hbm4b:s13+s4], $0x80, v3, vm0, $0xb8;
	[tilespmem:$0x10800] =	vst v63  }
0x1a5: {  	s5 =	sadd.s32 $0x2000, s5;
	s6 =	sadd.s32 $0x40, s6  }
0x1a6: {  	[tilespmem:s3], [sflag:$0x2] =	stream.indirect_vreg.gather [hbm4b:s14+s4], $0x80, v3, vm0, $0xb8;
	[tilespmem:$0x10800] =	vst v63  }
0x1a7: {  	_ =	swait.ge [sflag:s1], $0x8000  }
0x1a8: {  	[sflag:s1] =	ssyncset.done $0x0  }
0x1a9: {  	s5 =	rddreg [dreg:$0xc];
	[sflag:s1] =	ssyncadd.s32 $0xFFFF8000  }
0x1aa: {  	[hbm4b:s5+s4] =	stream.linear.scatter [tilespmem:s20], [sflag:$0x3], $0x8000, $0x38;
	[tilespmem:$0x10800] =	vst v63  }
0x1ab: {  	_ =	swait.ge [sflag:s18], $0x8000  }
0x1ac: {  	[sflag:s18] =	ssyncset.done $0x0  }
0x1ad: {  	[sflag:s18] =	ssyncadd.s32 $0xFFFF8000  }
0x1ae: {  	_ =	swait.ge [sflag:s19], $0x8000  }
0x1af: {  	[sflag:s19] =	ssyncset.done $0x0  }
0x1b0: {  	s25 =	rddreg [dreg:$0xd];
	[sflag:s19] =	ssyncadd.s32 $0xFFFF8000  }
0x1b1: {  	[hbm4b:s25+s4] =	stream.linear.scatter [tilespmem:s10], [sflag:$0x3], $0x8000, $0x38;
	[tilespmem:$0x10800] =	vst v63  }
0x1b2: {  	_ =	swait.ge [sflag:s18], $0x8000  }
0x1b3: {  	s6 =	rddreg [dreg:$0xf]  }
0x1b4: {  	s11 =	simm.s32 $0x1000;
	s26 =	rddreg [dreg:$0xe];
	s6 =	sadd.s32 $0x1, s6  }
0x1b5: {  	s15 =	simm.s32 $0x1800;
	s16 =	simm.s32 $0x2000;
	p0 =	sne.s32 s6, s26  }
.Ltmp2:
0x1b6: {  	s17 =	simm.s32 $0x2800;
	s21 =	simm.s32 $0x3000;
	(pc) =	sbr.rel @p0 .LBB2_1-.Ltmp2, $4  }
0x1b7: {  	s22 =	simm.s32 $0x3800;
	s23 =	simm.s32 $0x4000;
	s24 =	simm.s32 $0x4800  }
0x1b8: {  	s28 =	simm.s32 $0x6000;
	s29 =	simm.s32 $0x6800;
	s30 =	simm.s32 $0x7000  }
0x1b9: {  	s3 =	simm.s32 $0x7800;
	s31 =	simm.s32 $0x8000;
	[sflag:s18] =	ssyncset.done $0x0  }
0x1ba: {  	s25 =	simm.s32 $0x5000;
	[sflag:s18] =	ssyncadd.s32 $0xFFFF8000;
	s26 =	simm.s32 $0x5800  }
0x1bb: {  	_ =	sfence.sel $0x180000  }
0x1bc: {  	[bflag:$0x0] =	sbarrier.arrive $0xFFFF  }
0x1bd: {  	_ =	strace $0x90000047  }
0x1be: {  	s0 =	stileid.u32;
	[bflag:$0x2] =	sbarrier.arrive $0xFFFF  }
0x1bf: {  	p0 =	sne.s32 s0, $0x0;
	s0 =	rddreg [dreg:$0x5]  }
0x1c0: {  	s0 =	sadd.s32 @!p0 $0x100000, s0  }
0x1c1: {  	[sflag:s0] =	ssyncadd.tile.s32 @!p0 $0x1;
	_ =	shalt  }
.Lfunc_end2:
_tile_overlayer_lowered:
.L_overlay_start_2:
0x1c2: {  	(tag) =	ssettag $0x2  }
0x1c3: {  	s0 =	rddreg [dreg:$0x0];
	s2 =	stileid.u32  }
0x1c4: {  	s1 =	rddreg [dreg:$0x1];
	p0 =	sne.s32 s2, $0x0  }
0x1c5: {  	s3 =	rddreg [dreg:$0x2];
	[bflag:$0x3] =	sbarrier.arrive $0xFFFF;
	s2 =	simm.s32 @!p0 $0x1C03  }
0x1c6: {  	[timem:s3], [sflag:s2] =	dma.local @!p0 [hbm:s0], s1  }
0x1c7: {  	s0 =	simm.s32 @!p0 $0x3  }
0x1c8: {  	_ =	swait.ge @!p0 [sflag:s0], s1  }
0x1c9: {  	s1 =	ssub.s32 @!p0 $0x0, s1;
	[sflag:s0] =	ssyncset.done @!p0 $0x0  }
0x1ca: {  	[sflag:s0] =	ssyncadd.s32 @!p0 s1  }
0x1cb: {  	[bflag:$0x3] =	sbarrier.arrive $0xFFFF  }
0x1cc: {  	_ =	shalt  }

</sc_bundles>
